<compile_context>
chip_gen: v7x
topology: tpu7x:2x2x1
jax: 0.10.2.dev20260603
libtpu: 0.0.44.dev20260713+nightly
codegen_flags: <defaults>
</compile_context>

<pallas_src>
import jax
import jax.numpy as jnp
from jax import lax
from jax.experimental import pallas as pl
from jax.experimental.pallas import tpu as pltpu
from jax.experimental.pallas import tpu_sc as plsc

N = 50000
NH = 9
D = 128
F = NH * D

NW = 32
NPT = 1600
NPAD = NW * NPT
C = 32
NCH = NPT // C
G = C * NH
MMB = 2000


def _mm_body(x_ref, w_ref, o_ref):
    o_ref[...] = jnp.dot(x_ref[...].astype(jnp.bfloat16), w_ref[...],
                         preferred_element_type=jnp.float32)


def _sc_body(adjc_hbm, pat_hbm, y_hbm, b_hbm, out_hbm,
             adjc_a, idx_a, rows_v0, rows_v1, outb_v0, outb_v1, b_v, pat_v,
             gsem0, gsem1, osem0, osem1):
    cid = lax.axis_index("c")
    sid = lax.axis_index("s")
    wid = sid * 2 + cid
    base = wid * NPT
    pltpu.sync_copy(b_hbm, b_v)
    pltpu.sync_copy(pat_hbm, pat_v)
    pltpu.sync_copy(adjc_hbm.at[pl.ds(base * NH, NPT * NH)], adjc_a)

    def idx_body(g, _):
        sl = pl.ds(g * 16, 16)
        ps = pl.ds(lax.rem(g, NH) * 16, 16)
        idx_a[sl] = adjc_a[sl] * NH + pat_v[ps]
        return 0
    lax.fori_loop(0, (NPT * NH) // 16, idx_body, 0, unroll=8)

    bufs = ((rows_v0, outb_v0, gsem0, osem0),
            (rows_v1, outb_v1, gsem1, osem1))

    def fire(ch, buf):
        rows_v, _, gsem, _ = bufs[buf]
        pltpu.async_copy(y_hbm.at[idx_a.at[pl.ds(ch * G, G)]], rows_v, gsem)

    def consume(ch, p, buf):
        rows_v, outb_v, gsem, osem = bufs[buf]
        pltpu.make_async_copy(y_hbm.at[idx_a.at[pl.ds(ch * G, G)]],
                              rows_v, gsem).wait()

        @pl.when(p > 0)
        def _():
            pltpu.make_async_copy(outb_v, out_hbm.at[pl.ds(base, C)],
                                  osem).wait()

        def sum_body(i, _):
            r0 = i * NH
            for j in range(D // 16):
                js = pl.ds(j * 16, 16)
                acc = b_v[js]
                for k in range(NH):
                    acc = acc + rows_v[r0 + k, js]
                outb_v[i, js] = acc
            return 0
        lax.fori_loop(0, C, sum_body, 0)
        pltpu.async_copy(outb_v, out_hbm.at[pl.ds(base + ch * C, C)], osem)

        @pl.when(ch + 2 < NCH)
        def _():
            fire(ch + 2, buf)

    fire(0, 0)
    fire(1, 1)

    def pair_body(p, _):
        consume(p * 2, p, 0)
        consume(p * 2 + 1, p, 1)
        return 0

    lax.fori_loop(0, NCH // 2, pair_body, 0)
    pltpu.make_async_copy(outb_v0, out_hbm.at[pl.ds(base, C)], osem0).wait()
    pltpu.make_async_copy(outb_v1, out_hbm.at[pl.ds(base, C)], osem1).wait()


def kernel(x, adjc, W, b):
    x2 = x.reshape(N, D)
    W2 = W.reshape(NH, D, D).transpose(1, 0, 2).reshape(D, F)
    W2 = W2.astype(jnp.bfloat16)

    Y = pl.pallas_call(
        _mm_body,
        grid=(N // MMB,),
        in_specs=[pl.BlockSpec((MMB, D), lambda i: (i, 0)),
                  pl.BlockSpec((D, F), lambda i: (0, 0))],
        out_specs=pl.BlockSpec((MMB, F), lambda i: (i, 0)),
        out_shape=jax.ShapeDtypeStruct((N, F), jnp.float32),
    )(x2, W2)
    Yr = Y.reshape(N * NH, D)

    adjc_flat = jnp.pad(adjc.reshape(-1), (0, (NPAD - N) * NH))
    pat = (jnp.arange(NH * 16, dtype=jnp.int32)) % NH


    mesh = plsc.VectorSubcoreMesh(core_axis_name="c", subcore_axis_name="s")
    out_sc = pl.kernel(
        _sc_body,
        out_type=jax.ShapeDtypeStruct((NPAD, D), jnp.float32),
        mesh=mesh,
        scratch_types=[
            pltpu.VMEM((NPT * NH,), jnp.int32),
            pltpu.VMEM((NPT * NH,), jnp.int32),
            pltpu.VMEM((G, D), jnp.float32),
            pltpu.VMEM((G, D), jnp.float32),
            pltpu.VMEM((C, D), jnp.float32),
            pltpu.VMEM((C, D), jnp.float32),
            pltpu.VMEM((D,), jnp.float32),
            pltpu.VMEM((NH * 16,), jnp.int32),
            pltpu.SemaphoreType.DMA,
            pltpu.SemaphoreType.DMA,
            pltpu.SemaphoreType.DMA,
            pltpu.SemaphoreType.DMA,
        ],
    )(adjc_flat, pat, Yr, b)

    return out_sc[:N].reshape(1, 1, N, 1, D)

# --- scband reference (transcript-rebuilt; emitter-appended) ---
"""Pipeline reference for scband-conv-29411936043447 (READ-ONLY COPY).

The authoritative reference and input builder live on the scoring server;
editing this copy changes nothing except your own understanding.
"""

import jax, jax.numpy as jnp
import numpy as np

B, T, N, NH, D_IN, D_OUT = 1, 1, 50000, 9, 128, 128

def setup_inputs(seed: int = 0) -> dict:
    key = jax.random.key(seed)
    k1, k2, k3 = jax.random.split(key, 3)
    x = jax.random.normal(k1, (B, T, N, D_IN), dtype=jnp.float32)
    adjc = jax.random.randint(k2, (N, NH), 0, N, dtype=jnp.int32)
    W = jax.random.normal(k3, (NH * D_IN, D_OUT), dtype=jnp.float32) * (1.0 / np.sqrt(NH * D_IN))
    b = jnp.zeros((D_OUT,), dtype=jnp.float32)
    return {"x": x, "adjc": adjc, "W": W, "b": b}

def reference(x, adjc, W, b):
    # grid_layer.get_nh: gather the fixed-size neighborhood of every cell
    # x: [B, T, N, d_in] -> x_nh: [B, T, N, nh, d_in]
    x_nh = jnp.take(x, adjc, axis=2)
    # layer maps [nh, in_features] -> [1, out_features] per cell (dense over the
    # flattened neighborhood axis, as built by get_layer([nh, in_f], [1, out_f]))
    x_flat = x_nh.reshape(x_nh.shape[0], x_nh.shape[1], x_nh.shape[2], -1)
    out = jnp.einsum('btnf,fo->btno', x_flat, W) + b
    # x.view(*x.shape[:3], -1, x.shape[-1])
    out = out.reshape(out.shape[0], out.shape[1], out.shape[2], 1, out.shape[3])
    return out

if __name__ == "__main__":
    import jax
    _d = setup_inputs()
    print(jax.jit(kernel)(*tuple(_d.values())))

</pallas_src>

<mosaic_0001>
#map = affine_map<(d0, d1) -> (0)>
#map1 = affine_map<(d0, d1) -> (0, 0)>
module attributes {stable_mosaic.version = 14 : i64} {
  func.func @_sc_body(%arg0: i32, %arg1: i32, %arg2: memref<460800xi32, #tpu.memory_space<hbm>>, %arg3: memref<144xi32, #tpu.memory_space<hbm>>, %arg4: memref<450000x128xf32, #tpu.memory_space<hbm>>, %arg5: memref<128xf32, #tpu.memory_space<hbm>>, %arg6: memref<51200x128xf32, #tpu.memory_space<hbm>>, %arg7: memref<14400xi32, #tpu.memory_space<vmem>>, %arg8: memref<14400xi32, #tpu.memory_space<vmem>>, %arg9: memref<288x128xf32, #tpu.memory_space<vmem>>, %arg10: memref<288x128xf32, #tpu.memory_space<vmem>>, %arg11: memref<32x128xf32, #tpu.memory_space<vmem>>, %arg12: memref<32x128xf32, #tpu.memory_space<vmem>>, %arg13: memref<128xf32, #tpu.memory_space<vmem>>, %arg14: memref<144xi32, #tpu.memory_space<vmem>>, %arg15: memref<!tpu.dma_semaphore, #tpu.memory_space<semaphore_mem>>, %arg16: memref<!tpu.dma_semaphore, #tpu.memory_space<semaphore_mem>>, %arg17: memref<!tpu.dma_semaphore, #tpu.memory_space<semaphore_mem>>, %arg18: memref<!tpu.dma_semaphore, #tpu.memory_space<semaphore_mem>>) attributes {dimension_semantics = [#tpu.dimension_semantics<core_parallel>, #tpu.dimension_semantics<subcore_parallel>], iteration_bounds = array<i64: 2, 16>, scalar_prefetch = 0 : i64, scratch_operands = 12 : i64, tpu.core_type = #tpu.core_type<sc_vector_subcore>, window_params = [{transform_indices = #map}, {transform_indices = #map}, {transform_indices = #map1}, {transform_indices = #map}, {transform_indices = #map1}]} {
    %mul3A = arith.constant 2 : i32
    %mul3A_0 = arith.muli %arg1, %mul3A : i32
    %add3A = arith.addi %mul3A_0, %arg0 : i32
    %mul3A_1 = arith.constant 1600 : i32
    %mul3A_2 = arith.muli %add3A, %mul3A_1 : i32
    "tpu.region"() ({
      %run_scoped3A = tpu.sem_alloc : memref<!tpu.dma_semaphore, #tpu.memory_space<semaphore_mem>>
      tpu.enqueue_dma source(%arg5 : memref<128xf32, #tpu.memory_space<hbm>>) target(%arg13 : memref<128xf32, #tpu.memory_space<vmem>>) target_semaphore(%run_scoped3A : memref<!tpu.dma_semaphore, #tpu.memory_space<semaphore_mem>>)
      tpu.wait_dma2 semaphore(%run_scoped3A : memref<!tpu.dma_semaphore, #tpu.memory_space<semaphore_mem>>) src(%arg5 : memref<128xf32, #tpu.memory_space<hbm>>) dst(%arg13 : memref<128xf32, #tpu.memory_space<vmem>>)
      tpu.yield
    }) : () -> ()
    "tpu.region"() ({
      %run_scoped3A = tpu.sem_alloc : memref<!tpu.dma_semaphore, #tpu.memory_space<semaphore_mem>>
      tpu.enqueue_dma source(%arg3 : memref<144xi32, #tpu.memory_space<hbm>>) target(%arg14 : memref<144xi32, #tpu.memory_space<vmem>>) target_semaphore(%run_scoped3A : memref<!tpu.dma_semaphore, #tpu.memory_space<semaphore_mem>>)
      tpu.wait_dma2 semaphore(%run_scoped3A : memref<!tpu.dma_semaphore, #tpu.memory_space<semaphore_mem>>) src(%arg3 : memref<144xi32, #tpu.memory_space<hbm>>) dst(%arg14 : memref<144xi32, #tpu.memory_space<vmem>>)
      tpu.yield
    }) : () -> ()
    %mul3A_3 = arith.constant 9 : i32
    %mul3A_4 = arith.muli %mul3A_2, %mul3A_3 : i32
    "tpu.region"() ({
      %run_scoped3A = tpu.sem_alloc : memref<!tpu.dma_semaphore, #tpu.memory_space<semaphore_mem>>
      %dma_start3A_123 = tpu.memref_slice %arg2[%mul3A_4] : memref<460800xi32, #tpu.memory_space<hbm>> -> memref<14400xi32, #tpu.memory_space<hbm>>
      %dma_start3A_124 = tpu.memref_slice %arg2[%mul3A_4] : memref<460800xi32, #tpu.memory_space<hbm>> -> memref<14400xi32, #tpu.memory_space<hbm>>
      tpu.enqueue_dma source(%dma_start3A_124 : memref<14400xi32, #tpu.memory_space<hbm>>) target(%arg7 : memref<14400xi32, #tpu.memory_space<vmem>>) target_semaphore(%run_scoped3A : memref<!tpu.dma_semaphore, #tpu.memory_space<semaphore_mem>>)
      %dma_wait3A_125 = tpu.memref_slice %arg2[%mul3A_4] : memref<460800xi32, #tpu.memory_space<hbm>> -> memref<14400xi32, #tpu.memory_space<hbm>>
      %dma_wait3A_126 = tpu.memref_slice %arg2[%mul3A_4] : memref<460800xi32, #tpu.memory_space<hbm>> -> memref<14400xi32, #tpu.memory_space<hbm>>
      tpu.wait_dma2 semaphore(%run_scoped3A : memref<!tpu.dma_semaphore, #tpu.memory_space<semaphore_mem>>) src(%dma_wait3A_126 : memref<14400xi32, #tpu.memory_space<hbm>>) dst(%arg7 : memref<14400xi32, #tpu.memory_space<vmem>>)
      tpu.yield
    }) : () -> ()
    %scan3A = arith.constant 0 : i32
    %scan3A_5 = arith.constant 0 : i32
    %scan3A_6 = arith.constant 896 : i32
    %scan3A_7 = arith.addi %scan3A_5, %scan3A_6 : i32
    %scan3A_8 = arith.constant 8 : i32
    %scan3A_9 = scf.for %scan3A_123 = %scan3A_5 to %scan3A_7 step %scan3A_8 iter_args(%scan3A_124 = %scan3A) -> (i32)  : i32 {
      %mul3A_125 = arith.constant 16 : i32
      %mul3A_126 = arith.muli %scan3A_123, %mul3A_125 : i32
      %rem3A_127 = arith.constant 9 : i32
      %rem3A_128 = arith.remsi %scan3A_123, %rem3A_127 : i32
      %mul3A_129 = arith.constant 16 : i32
      %mul3A_130 = arith.muli %rem3A_128, %mul3A_129 : i32
      %get3A_131 = arith.index_cast %mul3A_126 : i32 to index
      %get3A_132 = tpu.vector_load %arg7[%get3A_131] {strides = array<i32>} : memref<14400xi32, #tpu.memory_space<vmem>>, vector<16xi32>,
      %get3A_133 = vector.shape_cast %get3A_132 : vector<16xi32> to vector<16xi32>
      %mul3A_134 = arith.constant 9 : i32
      %mul3A_135 = vector.broadcast %mul3A_134 : i32 to vector<16xi32>
      %mul3A_136 = arith.muli %get3A_133, %mul3A_135 : vector<16xi32>
      %get3A_137 = arith.index_cast %mul3A_130 : i32 to index
      %get3A_138 = tpu.vector_load %arg14[%get3A_137] {strides = array<i32>} : memref<144xi32, #tpu.memory_space<vmem>>, vector<16xi32>,
      %get3A_139 = vector.shape_cast %get3A_138 : vector<16xi32> to vector<16xi32>
      %add3A_140 = arith.addi %mul3A_136, %get3A_139 : vector<16xi32>
      %swap3A_141 = arith.index_cast %mul3A_126 : i32 to index
      %swap3A_142 = tpu.vector_load %arg8[%swap3A_141] {strides = array<i32>} : memref<14400xi32, #tpu.memory_space<vmem>>, vector<16xi32>,
      %swap3A_143 = vector.shape_cast %swap3A_142 : vector<16xi32> to vector<16xi32>
      %swap3A_144 = vector.shape_cast %add3A_140 : vector<16xi32> to vector<16xi32>
      tpu.vector_store %arg8[%swap3A_141], %swap3A_144 {strides = array<i32>} : memref<14400xi32, #tpu.memory_space<vmem>>, vector<16xi32>,
      %scan3A_145 = arith.constant 0 : i32
      %scan3A_146 = arith.constant 1 : i32
      %scan3A_147 = arith.addi %scan3A_123, %scan3A_146 : i32
      %mul3A_148 = arith.constant 16 : i32
      %mul3A_149 = arith.muli %scan3A_147, %mul3A_148 : i32
      %rem3A_150 = arith.constant 9 : i32
      %rem3A_151 = arith.remsi %scan3A_147, %rem3A_150 : i32
      %mul3A_152 = arith.constant 16 : i32
      %mul3A_153 = arith.muli %rem3A_151, %mul3A_152 : i32
      %get3A_154 = arith.index_cast %mul3A_149 : i32 to index
      %get3A_155 = tpu.vector_load %arg7[%get3A_154] {strides = array<i32>} : memref<14400xi32, #tpu.memory_space<vmem>>, vector<16xi32>,
      %get3A_156 = vector.shape_cast %get3A_155 : vector<16xi32> to vector<16xi32>
      %mul3A_157 = arith.constant 9 : i32
      %mul3A_158 = vector.broadcast %mul3A_157 : i32 to vector<16xi32>
      %mul3A_159 = arith.muli %get3A_156, %mul3A_158 : vector<16xi32>
      %get3A_160 = arith.index_cast %mul3A_153 : i32 to index
      %get3A_161 = tpu.vector_load %arg14[%get3A_160] {strides = array<i32>} : memref<144xi32, #tpu.memory_space<vmem>>, vector<16xi32>,
      %get3A_162 = vector.shape_cast %get3A_161 : vector<16xi32> to vector<16xi32>
      %add3A_163 = arith.addi %mul3A_159, %get3A_162 : vector<16xi32>
      %swap3A_164 = arith.index_cast %mul3A_149 : i32 to index
      %swap3A_165 = tpu.vector_load %arg8[%swap3A_164] {strides = array<i32>} : memref<14400xi32, #tpu.memory_space<vmem>>, vector<16xi32>,
      %swap3A_166 = vector.shape_cast %swap3A_165 : vector<16xi32> to vector<16xi32>
      %swap3A_167 = vector.shape_cast %add3A_163 : vector<16xi32> to vector<16xi32>
      tpu.vector_store %arg8[%swap3A_164], %swap3A_167 {strides = array<i32>} : memref<14400xi32, #tpu.memory_space<vmem>>, vector<16xi32>,
      %scan3A_168 = arith.constant 0 : i32
      %scan3A_169 = arith.constant 2 : i32
      %scan3A_170 = arith.addi %scan3A_123, %scan3A_169 : i32
      %mul3A_171 = arith.constant 16 : i32
      %mul3A_172 = arith.muli %scan3A_170, %mul3A_171 : i32
      %rem3A_173 = arith.constant 9 : i32
      %rem3A_174 = arith.remsi %scan3A_170, %rem3A_173 : i32
      %mul3A_175 = arith.constant 16 : i32
      %mul3A_176 = arith.muli %rem3A_174, %mul3A_175 : i32
      %get3A_177 = arith.index_cast %mul3A_172 : i32 to index
      %get3A_178 = tpu.vector_load %arg7[%get3A_177] {strides = array<i32>} : memref<14400xi32, #tpu.memory_space<vmem>>, vector<16xi32>,
      %get3A_179 = vector.shape_cast %get3A_178 : vector<16xi32> to vector<16xi32>
      %mul3A_180 = arith.constant 9 : i32
      %mul3A_181 = vector.broadcast %mul3A_180 : i32 to vector<16xi32>
      %mul3A_182 = arith.muli %get3A_179, %mul3A_181 : vector<16xi32>
      %get3A_183 = arith.index_cast %mul3A_176 : i32 to index
      %get3A_184 = tpu.vector_load %arg14[%get3A_183] {strides = array<i32>} : memref<144xi32, #tpu.memory_space<vmem>>, vector<16xi32>,
      %get3A_185 = vector.shape_cast %get3A_184 : vector<16xi32> to vector<16xi32>
      %add3A_186 = arith.addi %mul3A_182, %get3A_185 : vector<16xi32>
      %swap3A_187 = arith.index_cast %mul3A_172 : i32 to index
      %swap3A_188 = tpu.vector_load %arg8[%swap3A_187] {strides = array<i32>} : memref<14400xi32, #tpu.memory_space<vmem>>, vector<16xi32>,
      %swap3A_189 = vector.shape_cast %swap3A_188 : vector<16xi32> to vector<16xi32>
      %swap3A_190 = vector.shape_cast %add3A_186 : vector<16xi32> to vector<16xi32>
      tpu.vector_store %arg8[%swap3A_187], %swap3A_190 {strides = array<i32>} : memref<14400xi32, #tpu.memory_space<vmem>>, vector<16xi32>,
      %scan3A_191 = arith.constant 0 : i32
      %scan3A_192 = arith.constant 3 : i32
      %scan3A_193 = arith.addi %scan3A_123, %scan3A_192 : i32
      %mul3A_194 = arith.constant 16 : i32
      %mul3A_195 = arith.muli %scan3A_193, %mul3A_194 : i32
      %rem3A_196 = arith.constant 9 : i32
      %rem3A_197 = arith.remsi %scan3A_193, %rem3A_196 : i32
      %mul3A_198 = arith.constant 16 : i32
      %mul3A_199 = arith.muli %rem3A_197, %mul3A_198 : i32
      %get3A_200 = arith.index_cast %mul3A_195 : i32 to index
      %get3A_201 = tpu.vector_load %arg7[%get3A_200] {strides = array<i32>} : memref<14400xi32, #tpu.memory_space<vmem>>, vector<16xi32>,
      %get3A_202 = vector.shape_cast %get3A_201 : vector<16xi32> to vector<16xi32>
      %mul3A_203 = arith.constant 9 : i32
      %mul3A_204 = vector.broadcast %mul3A_203 : i32 to vector<16xi32>
      %mul3A_205 = arith.muli %get3A_202, %mul3A_204 : vector<16xi32>
      %get3A_206 = arith.index_cast %mul3A_199 : i32 to index
      %get3A_207 = tpu.vector_load %arg14[%get3A_206] {strides = array<i32>} : memref<144xi32, #tpu.memory_space<vmem>>, vector<16xi32>,
      %get3A_208 = vector.shape_cast %get3A_207 : vector<16xi32> to vector<16xi32>
      %add3A_209 = arith.addi %mul3A_205, %get3A_208 : vector<16xi32>
      %swap3A_210 = arith.index_cast %mul3A_195 : i32 to index
      %swap3A_211 = tpu.vector_load %arg8[%swap3A_210] {strides = array<i32>} : memref<14400xi32, #tpu.memory_space<vmem>>, vector<16xi32>,
      %swap3A_212 = vector.shape_cast %swap3A_211 : vector<16xi32> to vector<16xi32>
      %swap3A_213 = vector.shape_cast %add3A_209 : vector<16xi32> to vector<16xi32>
      tpu.vector_store %arg8[%swap3A_210], %swap3A_213 {strides = array<i32>} : memref<14400xi32, #tpu.memory_space<vmem>>, vector<16xi32>,
      %scan3A_214 = arith.constant 0 : i32
      %scan3A_215 = arith.constant 4 : i32
      %scan3A_216 = arith.addi %scan3A_123, %scan3A_215 : i32
      %mul3A_217 = arith.constant 16 : i32
      %mul3A_218 = arith.muli %scan3A_216, %mul3A_217 : i32
      %rem3A_219 = arith.constant 9 : i32
      %rem3A_220 = arith.remsi %scan3A_216, %rem3A_219 : i32
      %mul3A_221 = arith.constant 16 : i32
      %mul3A_222 = arith.muli %rem3A_220, %mul3A_221 : i32
      %get3A_223 = arith.index_cast %mul3A_218 : i32 to index
      %get3A_224 = tpu.vector_load %arg7[%get3A_223] {strides = array<i32>} : memref<14400xi32, #tpu.memory_space<vmem>>, vector<16xi32>,
      %get3A_225 = vector.shape_cast %get3A_224 : vector<16xi32> to vector<16xi32>
      %mul3A_226 = arith.constant 9 : i32
      %mul3A_227 = vector.broadcast %mul3A_226 : i32 to vector<16xi32>
      %mul3A_228 = arith.muli %get3A_225, %mul3A_227 : vector<16xi32>
      %get3A_229 = arith.index_cast %mul3A_222 : i32 to index
      %get3A_230 = tpu.vector_load %arg14[%get3A_229] {strides = array<i32>} : memref<144xi32, #tpu.memory_space<vmem>>, vector<16xi32>,
      %get3A_231 = vector.shape_cast %get3A_230 : vector<16xi32> to vector<16xi32>
      %add3A_232 = arith.addi %mul3A_228, %get3A_231 : vector<16xi32>
      %swap3A_233 = arith.index_cast %mul3A_218 : i32 to index
      %swap3A_234 = tpu.vector_load %arg8[%swap3A_233] {strides = array<i32>} : memref<14400xi32, #tpu.memory_space<vmem>>, vector<16xi32>,
      %swap3A_235 = vector.shape_cast %swap3A_234 : vector<16xi32> to vector<16xi32>
      %swap3A_236 = vector.shape_cast %add3A_232 : vector<16xi32> to vector<16xi32>
      tpu.vector_store %arg8[%swap3A_233], %swap3A_236 {strides = array<i32>} : memref<14400xi32, #tpu.memory_space<vmem>>, vector<16xi32>,
      %scan3A_237 = arith.constant 0 : i32
      %scan3A_238 = arith.constant 5 : i32
      %scan3A_239 = arith.addi %scan3A_123, %scan3A_238 : i32
      %mul3A_240 = arith.constant 16 : i32
      %mul3A_241 = arith.muli %scan3A_239, %mul3A_240 : i32
      %rem3A_242 = arith.constant 9 : i32
      %rem3A_243 = arith.remsi %scan3A_239, %rem3A_242 : i32
      %mul3A_244 = arith.constant 16 : i32
      %mul3A_245 = arith.muli %rem3A_243, %mul3A_244 : i32
      %get3A_246 = arith.index_cast %mul3A_241 : i32 to index
      %get3A_247 = tpu.vector_load %arg7[%get3A_246] {strides = array<i32>} : memref<14400xi32, #tpu.memory_space<vmem>>, vector<16xi32>,
      %get3A_248 = vector.shape_cast %get3A_247 : vector<16xi32> to vector<16xi32>
      %mul3A_249 = arith.constant 9 : i32
      %mul3A_250 = vector.broadcast %mul3A_249 : i32 to vector<16xi32>
      %mul3A_251 = arith.muli %get3A_248, %mul3A_250 : vector<16xi32>
      %get3A_252 = arith.index_cast %mul3A_245 : i32 to index
      %get3A_253 = tpu.vector_load %arg14[%get3A_252] {strides = array<i32>} : memref<144xi32, #tpu.memory_space<vmem>>, vector<16xi32>,
      %get3A_254 = vector.shape_cast %get3A_253 : vector<16xi32> to vector<16xi32>
      %add3A_255 = arith.addi %mul3A_251, %get3A_254 : vector<16xi32>
      %swap3A_256 = arith.index_cast %mul3A_241 : i32 to index
      %swap3A_257 = tpu.vector_load %arg8[%swap3A_256] {strides = array<i32>} : memref<14400xi32, #tpu.memory_space<vmem>>, vector<16xi32>,
      %swap3A_258 = vector.shape_cast %swap3A_257 : vector<16xi32> to vector<16xi32>
      %swap3A_259 = vector.shape_cast %add3A_255 : vector<16xi32> to vector<16xi32>
      tpu.vector_store %arg8[%swap3A_256], %swap3A_259 {strides = array<i32>} : memref<14400xi32, #tpu.memory_space<vmem>>, vector<16xi32>,
      %scan3A_260 = arith.constant 0 : i32
      %scan3A_261 = arith.constant 6 : i32
      %scan3A_262 = arith.addi %scan3A_123, %scan3A_261 : i32
      %mul3A_263 = arith.constant 16 : i32
      %mul3A_264 = arith.muli %scan3A_262, %mul3A_263 : i32
      %rem3A_265 = arith.constant 9 : i32
      %rem3A_266 = arith.remsi %scan3A_262, %rem3A_265 : i32
      %mul3A_267 = arith.constant 16 : i32
      %mul3A_268 = arith.muli %rem3A_266, %mul3A_267 : i32
      %get3A_269 = arith.index_cast %mul3A_264 : i32 to index
      %get3A_270 = tpu.vector_load %arg7[%get3A_269] {strides = array<i32>} : memref<14400xi32, #tpu.memory_space<vmem>>, vector<16xi32>,
      %get3A_271 = vector.shape_cast %get3A_270 : vector<16xi32> to vector<16xi32>
      %mul3A_272 = arith.constant 9 : i32
      %mul3A_273 = vector.broadcast %mul3A_272 : i32 to vector<16xi32>
      %mul3A_274 = arith.muli %get3A_271, %mul3A_273 : vector<16xi32>
      %get3A_275 = arith.index_cast %mul3A_268 : i32 to index
      %get3A_276 = tpu.vector_load %arg14[%get3A_275] {strides = array<i32>} : memref<144xi32, #tpu.memory_space<vmem>>, vector<16xi32>,
      %get3A_277 = vector.shape_cast %get3A_276 : vector<16xi32> to vector<16xi32>
      %add3A_278 = arith.addi %mul3A_274, %get3A_277 : vector<16xi32>
      %swap3A_279 = arith.index_cast %mul3A_264 : i32 to index
      %swap3A_280 = tpu.vector_load %arg8[%swap3A_279] {strides = array<i32>} : memref<14400xi32, #tpu.memory_space<vmem>>, vector<16xi32>,
      %swap3A_281 = vector.shape_cast %swap3A_280 : vector<16xi32> to vector<16xi32>
      %swap3A_282 = vector.shape_cast %add3A_278 : vector<16xi32> to vector<16xi32>
      tpu.vector_store %arg8[%swap3A_279], %swap3A_282 {strides = array<i32>} : memref<14400xi32, #tpu.memory_space<vmem>>, vector<16xi32>,
      %scan3A_283 = arith.constant 0 : i32
      %scan3A_284 = arith.constant 7 : i32
      %scan3A_285 = arith.addi %scan3A_123, %scan3A_284 : i32
      %mul3A_286 = arith.constant 16 : i32
      %mul3A_287 = arith.muli %scan3A_285, %mul3A_286 : i32
      %rem3A_288 = arith.constant 9 : i32
      %rem3A_289 = arith.remsi %scan3A_285, %rem3A_288 : i32
      %mul3A_290 = arith.constant 16 : i32
      %mul3A_291 = arith.muli %rem3A_289, %mul3A_290 : i32
      %get3A_292 = arith.index_cast %mul3A_287 : i32 to index
      %get3A_293 = tpu.vector_load %arg7[%get3A_292] {strides = array<i32>} : memref<14400xi32, #tpu.memory_space<vmem>>, vector<16xi32>,
      %get3A_294 = vector.shape_cast %get3A_293 : vector<16xi32> to vector<16xi32>
      %mul3A_295 = arith.constant 9 : i32
      %mul3A_296 = vector.broadcast %mul3A_295 : i32 to vector<16xi32>
      %mul3A_297 = arith.muli %get3A_294, %mul3A_296 : vector<16xi32>
      %get3A_298 = arith.index_cast %mul3A_291 : i32 to index
      %get3A_299 = tpu.vector_load %arg14[%get3A_298] {strides = array<i32>} : memref<144xi32, #tpu.memory_space<vmem>>, vector<16xi32>,
      %get3A_300 = vector.shape_cast %get3A_299 : vector<16xi32> to vector<16xi32>
      %add3A_301 = arith.addi %mul3A_297, %get3A_300 : vector<16xi32>
      %swap3A_302 = arith.index_cast %mul3A_287 : i32 to index
      %swap3A_303 = tpu.vector_load %arg8[%swap3A_302] {strides = array<i32>} : memref<14400xi32, #tpu.memory_space<vmem>>, vector<16xi32>,
      %swap3A_304 = vector.shape_cast %swap3A_303 : vector<16xi32> to vector<16xi32>
      %swap3A_305 = vector.shape_cast %add3A_301 : vector<16xi32> to vector<16xi32>
      tpu.vector_store %arg8[%swap3A_302], %swap3A_305 {strides = array<i32>} : memref<14400xi32, #tpu.memory_space<vmem>>, vector<16xi32>,
      %scan3A_306 = arith.constant 0 : i32
      scf.yield %scan3A_306 : i32
    }
    %scan3A_10 = arith.constant 896 : i32
    %scan3A_11 = arith.addi %scan3A_5, %scan3A_10 : i32
    %mul3A_12 = arith.constant 16 : i32
    %mul3A_13 = arith.muli %scan3A_11, %mul3A_12 : i32
    %rem3A = arith.constant 9 : i32
    %rem3A_14 = arith.remsi %scan3A_11, %rem3A : i32
    %mul3A_15 = arith.constant 16 : i32
    %mul3A_16 = arith.muli %rem3A_14, %mul3A_15 : i32
    %get3A = arith.index_cast %mul3A_13 : i32 to index
    %get3A_17 = tpu.vector_load %arg7[%get3A] {strides = array<i32>} : memref<14400xi32, #tpu.memory_space<vmem>>, vector<16xi32>,
    %get3A_18 = vector.shape_cast %get3A_17 : vector<16xi32> to vector<16xi32>
    %mul3A_19 = arith.constant 9 : i32
    %mul3A_20 = vector.broadcast %mul3A_19 : i32 to vector<16xi32>
    %mul3A_21 = arith.muli %get3A_18, %mul3A_20 : vector<16xi32>
    %get3A_22 = arith.index_cast %mul3A_16 : i32 to index
    %get3A_23 = tpu.vector_load %arg14[%get3A_22] {strides = array<i32>} : memref<144xi32, #tpu.memory_space<vmem>>, vector<16xi32>,
    %get3A_24 = vector.shape_cast %get3A_23 : vector<16xi32> to vector<16xi32>
    %add3A_25 = arith.addi %mul3A_21, %get3A_24 : vector<16xi32>
    %swap3A = arith.index_cast %mul3A_13 : i32 to index
    %swap3A_26 = tpu.vector_load %arg8[%swap3A] {strides = array<i32>} : memref<14400xi32, #tpu.memory_space<vmem>>, vector<16xi32>,
    %swap3A_27 = vector.shape_cast %swap3A_26 : vector<16xi32> to vector<16xi32>
    %swap3A_28 = vector.shape_cast %add3A_25 : vector<16xi32> to vector<16xi32>
    tpu.vector_store %arg8[%swap3A], %swap3A_28 {strides = array<i32>} : memref<14400xi32, #tpu.memory_space<vmem>>, vector<16xi32>,
    %scan3A_29 = arith.constant 0 : i32
    %scan3A_30 = arith.constant 897 : i32
    %scan3A_31 = arith.addi %scan3A_5, %scan3A_30 : i32
    %mul3A_32 = arith.constant 16 : i32
    %mul3A_33 = arith.muli %scan3A_31, %mul3A_32 : i32
    %rem3A_34 = arith.constant 9 : i32
    %rem3A_35 = arith.remsi %scan3A_31, %rem3A_34 : i32
    %mul3A_36 = arith.constant 16 : i32
    %mul3A_37 = arith.muli %rem3A_35, %mul3A_36 : i32
    %get3A_38 = arith.index_cast %mul3A_33 : i32 to index
    %get3A_39 = tpu.vector_load %arg7[%get3A_38] {strides = array<i32>} : memref<14400xi32, #tpu.memory_space<vmem>>, vector<16xi32>,
    %get3A_40 = vector.shape_cast %get3A_39 : vector<16xi32> to vector<16xi32>
    %mul3A_41 = arith.constant 9 : i32
    %mul3A_42 = vector.broadcast %mul3A_41 : i32 to vector<16xi32>
    %mul3A_43 = arith.muli %get3A_40, %mul3A_42 : vector<16xi32>
    %get3A_44 = arith.index_cast %mul3A_37 : i32 to index
    %get3A_45 = tpu.vector_load %arg14[%get3A_44] {strides = array<i32>} : memref<144xi32, #tpu.memory_space<vmem>>, vector<16xi32>,
    %get3A_46 = vector.shape_cast %get3A_45 : vector<16xi32> to vector<16xi32>
    %add3A_47 = arith.addi %mul3A_43, %get3A_46 : vector<16xi32>
    %swap3A_48 = arith.index_cast %mul3A_33 : i32 to index
    %swap3A_49 = tpu.vector_load %arg8[%swap3A_48] {strides = array<i32>} : memref<14400xi32, #tpu.memory_space<vmem>>, vector<16xi32>,
    %swap3A_50 = vector.shape_cast %swap3A_49 : vector<16xi32> to vector<16xi32>
    %swap3A_51 = vector.shape_cast %add3A_47 : vector<16xi32> to vector<16xi32>
    tpu.vector_store %arg8[%swap3A_48], %swap3A_51 {strides = array<i32>} : memref<14400xi32, #tpu.memory_space<vmem>>, vector<16xi32>,
    %scan3A_52 = arith.constant 0 : i32
    %scan3A_53 = arith.constant 898 : i32
    %scan3A_54 = arith.addi %scan3A_5, %scan3A_53 : i32
    %mul3A_55 = arith.constant 16 : i32
    %mul3A_56 = arith.muli %scan3A_54, %mul3A_55 : i32
    %rem3A_57 = arith.constant 9 : i32
    %rem3A_58 = arith.remsi %scan3A_54, %rem3A_57 : i32
    %mul3A_59 = arith.constant 16 : i32
    %mul3A_60 = arith.muli %rem3A_58, %mul3A_59 : i32
    %get3A_61 = arith.index_cast %mul3A_56 : i32 to index
    %get3A_62 = tpu.vector_load %arg7[%get3A_61] {strides = array<i32>} : memref<14400xi32, #tpu.memory_space<vmem>>, vector<16xi32>,
    %get3A_63 = vector.shape_cast %get3A_62 : vector<16xi32> to vector<16xi32>
    %mul3A_64 = arith.constant 9 : i32
    %mul3A_65 = vector.broadcast %mul3A_64 : i32 to vector<16xi32>
    %mul3A_66 = arith.muli %get3A_63, %mul3A_65 : vector<16xi32>
    %get3A_67 = arith.index_cast %mul3A_60 : i32 to index
    %get3A_68 = tpu.vector_load %arg14[%get3A_67] {strides = array<i32>} : memref<144xi32, #tpu.memory_space<vmem>>, vector<16xi32>,
    %get3A_69 = vector.shape_cast %get3A_68 : vector<16xi32> to vector<16xi32>
    %add3A_70 = arith.addi %mul3A_66, %get3A_69 : vector<16xi32>
    %swap3A_71 = arith.index_cast %mul3A_56 : i32 to index
    %swap3A_72 = tpu.vector_load %arg8[%swap3A_71] {strides = array<i32>} : memref<14400xi32, #tpu.memory_space<vmem>>, vector<16xi32>,
    %swap3A_73 = vector.shape_cast %swap3A_72 : vector<16xi32> to vector<16xi32>
    %swap3A_74 = vector.shape_cast %add3A_70 : vector<16xi32> to vector<16xi32>
    tpu.vector_store %arg8[%swap3A_71], %swap3A_74 {strides = array<i32>} : memref<14400xi32, #tpu.memory_space<vmem>>, vector<16xi32>,
    %scan3A_75 = arith.constant 0 : i32
    %scan3A_76 = arith.constant 899 : i32
    %scan3A_77 = arith.addi %scan3A_5, %scan3A_76 : i32
    %mul3A_78 = arith.constant 16 : i32
    %mul3A_79 = arith.muli %scan3A_77, %mul3A_78 : i32
    %rem3A_80 = arith.constant 9 : i32
    %rem3A_81 = arith.remsi %scan3A_77, %rem3A_80 : i32
    %mul3A_82 = arith.constant 16 : i32
    %mul3A_83 = arith.muli %rem3A_81, %mul3A_82 : i32
    %get3A_84 = arith.index_cast %mul3A_79 : i32 to index
    %get3A_85 = tpu.vector_load %arg7[%get3A_84] {strides = array<i32>} : memref<14400xi32, #tpu.memory_space<vmem>>, vector<16xi32>,
    %get3A_86 = vector.shape_cast %get3A_85 : vector<16xi32> to vector<16xi32>
    %mul3A_87 = arith.constant 9 : i32
    %mul3A_88 = vector.broadcast %mul3A_87 : i32 to vector<16xi32>
    %mul3A_89 = arith.muli %get3A_86, %mul3A_88 : vector<16xi32>
    %get3A_90 = arith.index_cast %mul3A_83 : i32 to index
    %get3A_91 = tpu.vector_load %arg14[%get3A_90] {strides = array<i32>} : memref<144xi32, #tpu.memory_space<vmem>>, vector<16xi32>,
    %get3A_92 = vector.shape_cast %get3A_91 : vector<16xi32> to vector<16xi32>
    %add3A_93 = arith.addi %mul3A_89, %get3A_92 : vector<16xi32>
    %swap3A_94 = arith.index_cast %mul3A_79 : i32 to index
    %swap3A_95 = tpu.vector_load %arg8[%swap3A_94] {strides = array<i32>} : memref<14400xi32, #tpu.memory_space<vmem>>, vector<16xi32>,
    %swap3A_96 = vector.shape_cast %swap3A_95 : vector<16xi32> to vector<16xi32>
    %swap3A_97 = vector.shape_cast %add3A_93 : vector<16xi32> to vector<16xi32>
    tpu.vector_store %arg8[%swap3A_94], %swap3A_97 {strides = array<i32>} : memref<14400xi32, #tpu.memory_space<vmem>>, vector<16xi32>,
    %scan3A_98 = arith.constant 0 : i32
    %scan3A_99 = arith.constant 900 : i32
    %dma_start3A = arith.constant 0 : i32
    %dma_start3A_100 = tpu.memref_slice %arg8[%dma_start3A] : memref<14400xi32, #tpu.memory_space<vmem>> -> memref<288xi32, #tpu.memory_space<vmem>>
    %dma_start3A_101 = arith.constant 0 : i32
    %dma_start3A_102 = arith.constant 0 : i32
    %dma_start3A_103 = tpu.memref_slice %arg4[%dma_start3A_101, %dma_start3A_102] : memref<450000x128xf32, #tpu.memory_space<hbm>> -> memref<450000x128xf32, #tpu.memory_space<hbm>>
    tpu.enqueue_indirect_dma source(%dma_start3A_103 : memref<450000x128xf32, #tpu.memory_space<hbm>>) target(%arg9 : memref<288x128xf32, #tpu.memory_space<vmem>>) offsets(%dma_start3A_100 : memref<288xi32, #tpu.memory_space<vmem>>) semaphore(%arg15 : memref<!tpu.dma_semaphore, #tpu.memory_space<semaphore_mem>>)
    %dma_start3A_104 = arith.constant 288 : i32
    %dma_start3A_105 = tpu.memref_slice %arg8[%dma_start3A_104] : memref<14400xi32, #tpu.memory_space<vmem>> -> memref<288xi32, #tpu.memory_space<vmem>>
    %dma_start3A_106 = arith.constant 0 : i32
    %dma_start3A_107 = arith.constant 0 : i32
    %dma_start3A_108 = tpu.memref_slice %arg4[%dma_start3A_106, %dma_start3A_107] : memref<450000x128xf32, #tpu.memory_space<hbm>> -> memref<450000x128xf32, #tpu.memory_space<hbm>>
    tpu.enqueue_indirect_dma source(%dma_start3A_108 : memref<450000x128xf32, #tpu.memory_space<hbm>>) target(%arg10 : memref<288x128xf32, #tpu.memory_space<vmem>>) offsets(%dma_start3A_105 : memref<288xi32, #tpu.memory_space<vmem>>) semaphore(%arg16 : memref<!tpu.dma_semaphore, #tpu.memory_space<semaphore_mem>>)
    %scan3A_109 = arith.constant 0 : i32
    %scan3A_110 = arith.constant 0 : i32
    %scan3A_111 = arith.constant 25 : i32
    %scan3A_112 = arith.addi %scan3A_110, %scan3A_111 : i32
    %scan3A_113 = arith.constant 1 : i32
    %scan3A_114 = scf.for %scan3A_123 = %scan3A_110 to %scan3A_112 step %scan3A_113 iter_args(%scan3A_124 = %scan3A_109) -> (i32)  : i32 {
      %mul3A_125 = arith.constant 2 : i32
      %mul3A_126 = arith.muli %scan3A_123, %mul3A_125 : i32
      %mul3A_127 = arith.constant 288 : i32
      %mul3A_128 = arith.muli %mul3A_126, %mul3A_127 : i32
      %dma_wait3A_129 = tpu.memref_slice %arg8[%mul3A_128] : memref<14400xi32, #tpu.memory_space<vmem>> -> memref<288xi32, #tpu.memory_space<vmem>>
      %dma_wait3A_130 = arith.constant 0 : i32
      %dma_wait3A_131 = arith.constant 0 : i32
      %dma_wait3A_132 = tpu.memref_slice %arg4[%dma_wait3A_130, %dma_wait3A_131] : memref<450000x128xf32, #tpu.memory_space<hbm>> -> memref<450000x128xf32, #tpu.memory_space<hbm>>
      tpu.wait_indirect_dma semaphore(%arg15 : memref<!tpu.dma_semaphore, #tpu.memory_space<semaphore_mem>>) src(%dma_wait3A_132 : memref<450000x128xf32, #tpu.memory_space<hbm>>) dst(%arg9 : memref<288x128xf32, #tpu.memory_space<vmem>>)
      %gt3A = arith.constant 0 : i32
      %gt3A_133 = arith.cmpi sgt, %scan3A_123, %gt3A : i32
      %convert_element_type3A = arith.extui %gt3A_133 : i1 to i32
      %cond3A = arith.constant 0 : i32
      %cond3A_134 = arith.cmpi ne, %convert_element_type3A, %cond3A : i32
      scf.if %cond3A_134 {
        %dma_wait3A_192 = arith.constant 0 : i32
        %dma_wait3A_193 = tpu.memref_slice %arg6[%mul3A_2, %dma_wait3A_192] : memref<51200x128xf32, #tpu.memory_space<hbm>> -> memref<32x128xf32, #tpu.memory_space<hbm>>
        %dma_wait3A_194 = arith.constant 0 : i32
        %dma_wait3A_195 = tpu.memref_slice %arg6[%mul3A_2, %dma_wait3A_194] : memref<51200x128xf32, #tpu.memory_space<hbm>> -> memref<32x128xf32, #tpu.memory_space<hbm>>
        tpu.wait_dma2 semaphore(%arg17 : memref<!tpu.dma_semaphore, #tpu.memory_space<semaphore_mem>>) src(%arg11 : memref<32x128xf32, #tpu.memory_space<vmem>>) dst(%dma_wait3A_195 : memref<32x128xf32, #tpu.memory_space<hbm>>)
      } else {
      }
      %scan3A_135 = arith.constant 0 : i32
      %scan3A_136 = arith.constant 0 : i32
      %scan3A_137 = arith.constant 32 : i32
      %scan3A_138 = arith.addi %scan3A_136, %scan3A_137 : i32
      %scan3A_139 = arith.constant 1 : i32
      %scan3A_140 = scf.for %scan3A_192 = %scan3A_136 to %scan3A_138 step %scan3A_139 iter_args(%scan3A_193 = %scan3A_135) -> (i32)  : i32 {
        %mul3A_194 = arith.constant 9 : i32
        %mul3A_195 = arith.muli %scan3A_192, %mul3A_194 : i32
        %get3A_196 = arith.constant 0 : index
        %get3A_197 = tpu.vector_load %arg13[%get3A_196] {strides = array<i32>} : memref<128xf32, #tpu.memory_space<vmem>>, vector<16xf32>,
        %get3A_198 = vector.shape_cast %get3A_197 : vector<16xf32> to vector<16xf32>
        %add3A_199 = arith.constant 0 : i32
        %add3A_200 = arith.addi %mul3A_195, %add3A_199 : i32
        %get3A_201 = arith.index_cast %add3A_200 : i32 to index
        %get3A_202 = arith.constant 0 : index
        %get3A_203 = tpu.vector_load %arg9[%get3A_201, %get3A_202] {strides = array<i32>} : memref<288x128xf32, #tpu.memory_space<vmem>>, vector<1x16xf32>,
        %get3A_204 = vector.shape_cast %get3A_203 : vector<1x16xf32> to vector<16xf32>
        %add3A_205 = arith.addf %get3A_198, %get3A_204 : vector<16xf32>
        %add3A_206 = arith.constant 1 : i32
        %add3A_207 = arith.addi %mul3A_195, %add3A_206 : i32
        %get3A_208 = arith.index_cast %add3A_207 : i32 to index
        %get3A_209 = arith.constant 0 : index
        %get3A_210 = tpu.vector_load %arg9[%get3A_208, %get3A_209] {strides = array<i32>} : memref<288x128xf32, #tpu.memory_space<vmem>>, vector<1x16xf32>,
        %get3A_211 = vector.shape_cast %get3A_210 : vector<1x16xf32> to vector<16xf32>
        %add3A_212 = arith.addf %add3A_205, %get3A_211 : vector<16xf32>
        %add3A_213 = arith.constant 2 : i32
        %add3A_214 = arith.addi %mul3A_195, %add3A_213 : i32
        %get3A_215 = arith.index_cast %add3A_214 : i32 to index
        %get3A_216 = arith.constant 0 : index
        %get3A_217 = tpu.vector_load %arg9[%get3A_215, %get3A_216] {strides = array<i32>} : memref<288x128xf32, #tpu.memory_space<vmem>>, vector<1x16xf32>,
        %get3A_218 = vector.shape_cast %get3A_217 : vector<1x16xf32> to vector<16xf32>
        %add3A_219 = arith.addf %add3A_212, %get3A_218 : vector<16xf32>
        %add3A_220 = arith.constant 3 : i32
        %add3A_221 = arith.addi %mul3A_195, %add3A_220 : i32
        %get3A_222 = arith.index_cast %add3A_221 : i32 to index
        %get3A_223 = arith.constant 0 : index
        %get3A_224 = tpu.vector_load %arg9[%get3A_222, %get3A_223] {strides = array<i32>} : memref<288x128xf32, #tpu.memory_space<vmem>>, vector<1x16xf32>,
        %get3A_225 = vector.shape_cast %get3A_224 : vector<1x16xf32> to vector<16xf32>
        %add3A_226 = arith.addf %add3A_219, %get3A_225 : vector<16xf32>
        %add3A_227 = arith.constant 4 : i32
        %add3A_228 = arith.addi %mul3A_195, %add3A_227 : i32
        %get3A_229 = arith.index_cast %add3A_228 : i32 to index
        %get3A_230 = arith.constant 0 : index
        %get3A_231 = tpu.vector_load %arg9[%get3A_229, %get3A_230] {strides = array<i32>} : memref<288x128xf32, #tpu.memory_space<vmem>>, vector<1x16xf32>,
        %get3A_232 = vector.shape_cast %get3A_231 : vector<1x16xf32> to vector<16xf32>
        %add3A_233 = arith.addf %add3A_226, %get3A_232 : vector<16xf32>
        %add3A_234 = arith.constant 5 : i32
        %add3A_235 = arith.addi %mul3A_195, %add3A_234 : i32
        %get3A_236 = arith.index_cast %add3A_235 : i32 to index
        %get3A_237 = arith.constant 0 : index
        %get3A_238 = tpu.vector_load %arg9[%get3A_236, %get3A_237] {strides = array<i32>} : memref<288x128xf32, #tpu.memory_space<vmem>>, vector<1x16xf32>,
        %get3A_239 = vector.shape_cast %get3A_238 : vector<1x16xf32> to vector<16xf32>
        %add3A_240 = arith.addf %add3A_233, %get3A_239 : vector<16xf32>
        %add3A_241 = arith.constant 6 : i32
        %add3A_242 = arith.addi %mul3A_195, %add3A_241 : i32
        %get3A_243 = arith.index_cast %add3A_242 : i32 to index
        %get3A_244 = arith.constant 0 : index
        %get3A_245 = tpu.vector_load %arg9[%get3A_243, %get3A_244] {strides = array<i32>} : memref<288x128xf32, #tpu.memory_space<vmem>>, vector<1x16xf32>,
        %get3A_246 = vector.shape_cast %get3A_245 : vector<1x16xf32> to vector<16xf32>
        %add3A_247 = arith.addf %add3A_240, %get3A_246 : vector<16xf32>
        %add3A_248 = arith.constant 7 : i32
        %add3A_249 = arith.addi %mul3A_195, %add3A_248 : i32
        %get3A_250 = arith.index_cast %add3A_249 : i32 to index
        %get3A_251 = arith.constant 0 : index
        %get3A_252 = tpu.vector_load %arg9[%get3A_250, %get3A_251] {strides = array<i32>} : memref<288x128xf32, #tpu.memory_space<vmem>>, vector<1x16xf32>,
        %get3A_253 = vector.shape_cast %get3A_252 : vector<1x16xf32> to vector<16xf32>
        %add3A_254 = arith.addf %add3A_247, %get3A_253 : vector<16xf32>
        %add3A_255 = arith.constant 8 : i32
        %add3A_256 = arith.addi %mul3A_195, %add3A_255 : i32
        %get3A_257 = arith.index_cast %add3A_256 : i32 to index
        %get3A_258 = arith.constant 0 : index
        %get3A_259 = tpu.vector_load %arg9[%get3A_257, %get3A_258] {strides = array<i32>} : memref<288x128xf32, #tpu.memory_space<vmem>>, vector<1x16xf32>,
        %get3A_260 = vector.shape_cast %get3A_259 : vector<1x16xf32> to vector<16xf32>
        %add3A_261 = arith.addf %add3A_254, %get3A_260 : vector<16xf32>
        %swap3A_262 = arith.index_cast %scan3A_192 : i32 to index
        %swap3A_263 = arith.constant 0 : index
        %swap3A_264 = tpu.vector_load %arg11[%swap3A_262, %swap3A_263] {strides = array<i32>} : memref<32x128xf32, #tpu.memory_space<vmem>>, vector<1x16xf32>,
        %swap3A_265 = vector.shape_cast %swap3A_264 : vector<1x16xf32> to vector<16xf32>
        %swap3A_266 = vector.shape_cast %add3A_261 : vector<16xf32> to vector<1x16xf32>
        tpu.vector_store %arg11[%swap3A_262, %swap3A_263], %swap3A_266 {strides = array<i32>} : memref<32x128xf32, #tpu.memory_space<vmem>>, vector<1x16xf32>,
        %get3A_267 = arith.constant 16 : index
        %get3A_268 = tpu.vector_load %arg13[%get3A_267] {strides = array<i32>} : memref<128xf32, #tpu.memory_space<vmem>>, vector<16xf32>,
        %get3A_269 = vector.shape_cast %get3A_268 : vector<16xf32> to vector<16xf32>
        %add3A_270 = arith.constant 0 : i32
        %add3A_271 = arith.addi %mul3A_195, %add3A_270 : i32
        %get3A_272 = arith.index_cast %add3A_271 : i32 to index
        %get3A_273 = arith.constant 16 : index
        %get3A_274 = tpu.vector_load %arg9[%get3A_272, %get3A_273] {strides = array<i32>} : memref<288x128xf32, #tpu.memory_space<vmem>>, vector<1x16xf32>,
        %get3A_275 = vector.shape_cast %get3A_274 : vector<1x16xf32> to vector<16xf32>
        %add3A_276 = arith.addf %get3A_269, %get3A_275 : vector<16xf32>
        %add3A_277 = arith.constant 1 : i32
        %add3A_278 = arith.addi %mul3A_195, %add3A_277 : i32
        %get3A_279 = arith.index_cast %add3A_278 : i32 to index
        %get3A_280 = arith.constant 16 : index
        %get3A_281 = tpu.vector_load %arg9[%get3A_279, %get3A_280] {strides = array<i32>} : memref<288x128xf32, #tpu.memory_space<vmem>>, vector<1x16xf32>,
        %get3A_282 = vector.shape_cast %get3A_281 : vector<1x16xf32> to vector<16xf32>
        %add3A_283 = arith.addf %add3A_276, %get3A_282 : vector<16xf32>
        %add3A_284 = arith.constant 2 : i32
        %add3A_285 = arith.addi %mul3A_195, %add3A_284 : i32
        %get3A_286 = arith.index_cast %add3A_285 : i32 to index
        %get3A_287 = arith.constant 16 : index
        %get3A_288 = tpu.vector_load %arg9[%get3A_286, %get3A_287] {strides = array<i32>} : memref<288x128xf32, #tpu.memory_space<vmem>>, vector<1x16xf32>,
        %get3A_289 = vector.shape_cast %get3A_288 : vector<1x16xf32> to vector<16xf32>
        %add3A_290 = arith.addf %add3A_283, %get3A_289 : vector<16xf32>
        %add3A_291 = arith.constant 3 : i32
        %add3A_292 = arith.addi %mul3A_195, %add3A_291 : i32
        %get3A_293 = arith.index_cast %add3A_292 : i32 to index
        %get3A_294 = arith.constant 16 : index
        %get3A_295 = tpu.vector_load %arg9[%get3A_293, %get3A_294] {strides = array<i32>} : memref<288x128xf32, #tpu.memory_space<vmem>>, vector<1x16xf32>,
        %get3A_296 = vector.shape_cast %get3A_295 : vector<1x16xf32> to vector<16xf32>
        %add3A_297 = arith.addf %add3A_290, %get3A_296 : vector<16xf32>
        %add3A_298 = arith.constant 4 : i32
        %add3A_299 = arith.addi %mul3A_195, %add3A_298 : i32
        %get3A_300 = arith.index_cast %add3A_299 : i32 to index
        %get3A_301 = arith.constant 16 : index
        %get3A_302 = tpu.vector_load %arg9[%get3A_300, %get3A_301] {strides = array<i32>} : memref<288x128xf32, #tpu.memory_space<vmem>>, vector<1x16xf32>,
        %get3A_303 = vector.shape_cast %get3A_302 : vector<1x16xf32> to vector<16xf32>
        %add3A_304 = arith.addf %add3A_297, %get3A_303 : vector<16xf32>
        %add3A_305 = arith.constant 5 : i32
        %add3A_306 = arith.addi %mul3A_195, %add3A_305 : i32
        %get3A_307 = arith.index_cast %add3A_306 : i32 to index
        %get3A_308 = arith.constant 16 : index
        %get3A_309 = tpu.vector_load %arg9[%get3A_307, %get3A_308] {strides = array<i32>} : memref<288x128xf32, #tpu.memory_space<vmem>>, vector<1x16xf32>,
        %get3A_310 = vector.shape_cast %get3A_309 : vector<1x16xf32> to vector<16xf32>
        %add3A_311 = arith.addf %add3A_304, %get3A_310 : vector<16xf32>
        %add3A_312 = arith.constant 6 : i32
        %add3A_313 = arith.addi %mul3A_195, %add3A_312 : i32
        %get3A_314 = arith.index_cast %add3A_313 : i32 to index
        %get3A_315 = arith.constant 16 : index
        %get3A_316 = tpu.vector_load %arg9[%get3A_314, %get3A_315] {strides = array<i32>} : memref<288x128xf32, #tpu.memory_space<vmem>>, vector<1x16xf32>,
        %get3A_317 = vector.shape_cast %get3A_316 : vector<1x16xf32> to vector<16xf32>
        %add3A_318 = arith.addf %add3A_311, %get3A_317 : vector<16xf32>
        %add3A_319 = arith.constant 7 : i32
        %add3A_320 = arith.addi %mul3A_195, %add3A_319 : i32
        %get3A_321 = arith.index_cast %add3A_320 : i32 to index
        %get3A_322 = arith.constant 16 : index
        %get3A_323 = tpu.vector_load %arg9[%get3A_321, %get3A_322] {strides = array<i32>} : memref<288x128xf32, #tpu.memory_space<vmem>>, vector<1x16xf32>,
        %get3A_324 = vector.shape_cast %get3A_323 : vector<1x16xf32> to vector<16xf32>
        %add3A_325 = arith.addf %add3A_318, %get3A_324 : vector<16xf32>
        %add3A_326 = arith.constant 8 : i32
        %add3A_327 = arith.addi %mul3A_195, %add3A_326 : i32
        %get3A_328 = arith.index_cast %add3A_327 : i32 to index
        %get3A_329 = arith.constant 16 : index
        %get3A_330 = tpu.vector_load %arg9[%get3A_328, %get3A_329] {strides = array<i32>} : memref<288x128xf32, #tpu.memory_space<vmem>>, vector<1x16xf32>,
        %get3A_331 = vector.shape_cast %get3A_330 : vector<1x16xf32> to vector<16xf32>
        %add3A_332 = arith.addf %add3A_325, %get3A_331 : vector<16xf32>
        %swap3A_333 = arith.index_cast %scan3A_192 : i32 to index
        %swap3A_334 = arith.constant 16 : index
        %swap3A_335 = tpu.vector_load %arg11[%swap3A_333, %swap3A_334] {strides = array<i32>} : memref<32x128xf32, #tpu.memory_space<vmem>>, vector<1x16xf32>,
        %swap3A_336 = vector.shape_cast %swap3A_335 : vector<1x16xf32> to vector<16xf32>
        %swap3A_337 = vector.shape_cast %add3A_332 : vector<16xf32> to vector<1x16xf32>
        tpu.vector_store %arg11[%swap3A_333, %swap3A_334], %swap3A_337 {strides = array<i32>} : memref<32x128xf32, #tpu.memory_space<vmem>>, vector<1x16xf32>,
        %get3A_338 = arith.constant 32 : index
        %get3A_339 = tpu.vector_load %arg13[%get3A_338] {strides = array<i32>} : memref<128xf32, #tpu.memory_space<vmem>>, vector<16xf32>,
        %get3A_340 = vector.shape_cast %get3A_339 : vector<16xf32> to vector<16xf32>
        %add3A_341 = arith.constant 0 : i32
        %add3A_342 = arith.addi %mul3A_195, %add3A_341 : i32
        %get3A_343 = arith.index_cast %add3A_342 : i32 to index
        %get3A_344 = arith.constant 32 : index
        %get3A_345 = tpu.vector_load %arg9[%get3A_343, %get3A_344] {strides = array<i32>} : memref<288x128xf32, #tpu.memory_space<vmem>>, vector<1x16xf32>,
        %get3A_346 = vector.shape_cast %get3A_345 : vector<1x16xf32> to vector<16xf32>
        %add3A_347 = arith.addf %get3A_340, %get3A_346 : vector<16xf32>
        %add3A_348 = arith.constant 1 : i32
        %add3A_349 = arith.addi %mul3A_195, %add3A_348 : i32
        %get3A_350 = arith.index_cast %add3A_349 : i32 to index
        %get3A_351 = arith.constant 32 : index
        %get3A_352 = tpu.vector_load %arg9[%get3A_350, %get3A_351] {strides = array<i32>} : memref<288x128xf32, #tpu.memory_space<vmem>>, vector<1x16xf32>,
        %get3A_353 = vector.shape_cast %get3A_352 : vector<1x16xf32> to vector<16xf32>
        %add3A_354 = arith.addf %add3A_347, %get3A_353 : vector<16xf32>
        %add3A_355 = arith.constant 2 : i32
        %add3A_356 = arith.addi %mul3A_195, %add3A_355 : i32
        %get3A_357 = arith.index_cast %add3A_356 : i32 to index
        %get3A_358 = arith.constant 32 : index
        %get3A_359 = tpu.vector_load %arg9[%get3A_357, %get3A_358] {strides = array<i32>} : memref<288x128xf32, #tpu.memory_space<vmem>>, vector<1x16xf32>,
        %get3A_360 = vector.shape_cast %get3A_359 : vector<1x16xf32> to vector<16xf32>
        %add3A_361 = arith.addf %add3A_354, %get3A_360 : vector<16xf32>
        %add3A_362 = arith.constant 3 : i32
        %add3A_363 = arith.addi %mul3A_195, %add3A_362 : i32
        %get3A_364 = arith.index_cast %add3A_363 : i32 to index
        %get3A_365 = arith.constant 32 : index
        %get3A_366 = tpu.vector_load %arg9[%get3A_364, %get3A_365] {strides = array<i32>} : memref<288x128xf32, #tpu.memory_space<vmem>>, vector<1x16xf32>,
        %get3A_367 = vector.shape_cast %get3A_366 : vector<1x16xf32> to vector<16xf32>
        %add3A_368 = arith.addf %add3A_361, %get3A_367 : vector<16xf32>
        %add3A_369 = arith.constant 4 : i32
        %add3A_370 = arith.addi %mul3A_195, %add3A_369 : i32
        %get3A_371 = arith.index_cast %add3A_370 : i32 to index
        %get3A_372 = arith.constant 32 : index
        %get3A_373 = tpu.vector_load %arg9[%get3A_371, %get3A_372] {strides = array<i32>} : memref<288x128xf32, #tpu.memory_space<vmem>>, vector<1x16xf32>,
        %get3A_374 = vector.shape_cast %get3A_373 : vector<1x16xf32> to vector<16xf32>
        %add3A_375 = arith.addf %add3A_368, %get3A_374 : vector<16xf32>
        %add3A_376 = arith.constant 5 : i32
        %add3A_377 = arith.addi %mul3A_195, %add3A_376 : i32
        %get3A_378 = arith.index_cast %add3A_377 : i32 to index
        %get3A_379 = arith.constant 32 : index
        %get3A_380 = tpu.vector_load %arg9[%get3A_378, %get3A_379] {strides = array<i32>} : memref<288x128xf32, #tpu.memory_space<vmem>>, vector<1x16xf32>,
        %get3A_381 = vector.shape_cast %get3A_380 : vector<1x16xf32> to vector<16xf32>
        %add3A_382 = arith.addf %add3A_375, %get3A_381 : vector<16xf32>
        %add3A_383 = arith.constant 6 : i32
        %add3A_384 = arith.addi %mul3A_195, %add3A_383 : i32
        %get3A_385 = arith.index_cast %add3A_384 : i32 to index
        %get3A_386 = arith.constant 32 : index
        %get3A_387 = tpu.vector_load %arg9[%get3A_385, %get3A_386] {strides = array<i32>} : memref<288x128xf32, #tpu.memory_space<vmem>>, vector<1x16xf32>,
        %get3A_388 = vector.shape_cast %get3A_387 : vector<1x16xf32> to vector<16xf32>
        %add3A_389 = arith.addf %add3A_382, %get3A_388 : vector<16xf32>
        %add3A_390 = arith.constant 7 : i32
        %add3A_391 = arith.addi %mul3A_195, %add3A_390 : i32
        %get3A_392 = arith.index_cast %add3A_391 : i32 to index
        %get3A_393 = arith.constant 32 : index
        %get3A_394 = tpu.vector_load %arg9[%get3A_392, %get3A_393] {strides = array<i32>} : memref<288x128xf32, #tpu.memory_space<vmem>>, vector<1x16xf32>,
        %get3A_395 = vector.shape_cast %get3A_394 : vector<1x16xf32> to vector<16xf32>
        %add3A_396 = arith.addf %add3A_389, %get3A_395 : vector<16xf32>
        %add3A_397 = arith.constant 8 : i32
        %add3A_398 = arith.addi %mul3A_195, %add3A_397 : i32
        %get3A_399 = arith.index_cast %add3A_398 : i32 to index
        %get3A_400 = arith.constant 32 : index
        %get3A_401 = tpu.vector_load %arg9[%get3A_399, %get3A_400] {strides = array<i32>} : memref<288x128xf32, #tpu.memory_space<vmem>>, vector<1x16xf32>,
        %get3A_402 = vector.shape_cast %get3A_401 : vector<1x16xf32> to vector<16xf32>
        %add3A_403 = arith.addf %add3A_396, %get3A_402 : vector<16xf32>
        %swap3A_404 = arith.index_cast %scan3A_192 : i32 to index
        %swap3A_405 = arith.constant 32 : index
        %swap3A_406 = tpu.vector_load %arg11[%swap3A_404, %swap3A_405] {strides = array<i32>} : memref<32x128xf32, #tpu.memory_space<vmem>>, vector<1x16xf32>,
        %swap3A_407 = vector.shape_cast %swap3A_406 : vector<1x16xf32> to vector<16xf32>
        %swap3A_408 = vector.shape_cast %add3A_403 : vector<16xf32> to vector<1x16xf32>
        tpu.vector_store %arg11[%swap3A_404, %swap3A_405], %swap3A_408 {strides = array<i32>} : memref<32x128xf32, #tpu.memory_space<vmem>>, vector<1x16xf32>,
        %get3A_409 = arith.constant 48 : index
        %get3A_410 = tpu.vector_load %arg13[%get3A_409] {strides = array<i32>} : memref<128xf32, #tpu.memory_space<vmem>>, vector<16xf32>,
        %get3A_411 = vector.shape_cast %get3A_410 : vector<16xf32> to vector<16xf32>
        %add3A_412 = arith.constant 0 : i32
        %add3A_413 = arith.addi %mul3A_195, %add3A_412 : i32
        %get3A_414 = arith.index_cast %add3A_413 : i32 to index
        %get3A_415 = arith.constant 48 : index
        %get3A_416 = tpu.vector_load %arg9[%get3A_414, %get3A_415] {strides = array<i32>} : memref<288x128xf32, #tpu.memory_space<vmem>>, vector<1x16xf32>,
        %get3A_417 = vector.shape_cast %get3A_416 : vector<1x16xf32> to vector<16xf32>
        %add3A_418 = arith.addf %get3A_411, %get3A_417 : vector<16xf32>
        %add3A_419 = arith.constant 1 : i32
        %add3A_420 = arith.addi %mul3A_195, %add3A_419 : i32
        %get3A_421 = arith.index_cast %add3A_420 : i32 to index
        %get3A_422 = arith.constant 48 : index
        %get3A_423 = tpu.vector_load %arg9[%get3A_421, %get3A_422] {strides = array<i32>} : memref<288x128xf32, #tpu.memory_space<vmem>>, vector<1x16xf32>,
        %get3A_424 = vector.shape_cast %get3A_423 : vector<1x16xf32> to vector<16xf32>
        %add3A_425 = arith.addf %add3A_418, %get3A_424 : vector<16xf32>
        %add3A_426 = arith.constant 2 : i32
        %add3A_427 = arith.addi %mul3A_195, %add3A_426 : i32
        %get3A_428 = arith.index_cast %add3A_427 : i32 to index
        %get3A_429 = arith.constant 48 : index
        %get3A_430 = tpu.vector_load %arg9[%get3A_428, %get3A_429] {strides = array<i32>} : memref<288x128xf32, #tpu.memory_space<vmem>>, vector<1x16xf32>,
        %get3A_431 = vector.shape_cast %get3A_430 : vector<1x16xf32> to vector<16xf32>
        %add3A_432 = arith.addf %add3A_425, %get3A_431 : vector<16xf32>
        %add3A_433 = arith.constant 3 : i32
        %add3A_434 = arith.addi %mul3A_195, %add3A_433 : i32
        %get3A_435 = arith.index_cast %add3A_434 : i32 to index
        %get3A_436 = arith.constant 48 : index
        %get3A_437 = tpu.vector_load %arg9[%get3A_435, %get3A_436] {strides = array<i32>} : memref<288x128xf32, #tpu.memory_space<vmem>>, vector<1x16xf32>,
        %get3A_438 = vector.shape_cast %get3A_437 : vector<1x16xf32> to vector<16xf32>
        %add3A_439 = arith.addf %add3A_432, %get3A_438 : vector<16xf32>
        %add3A_440 = arith.constant 4 : i32
        %add3A_441 = arith.addi %mul3A_195, %add3A_440 : i32
        %get3A_442 = arith.index_cast %add3A_441 : i32 to index
        %get3A_443 = arith.constant 48 : index
        %get3A_444 = tpu.vector_load %arg9[%get3A_442, %get3A_443] {strides = array<i32>} : memref<288x128xf32, #tpu.memory_space<vmem>>, vector<1x16xf32>,
        %get3A_445 = vector.shape_cast %get3A_444 : vector<1x16xf32> to vector<16xf32>
        %add3A_446 = arith.addf %add3A_439, %get3A_445 : vector<16xf32>
        %add3A_447 = arith.constant 5 : i32
        %add3A_448 = arith.addi %mul3A_195, %add3A_447 : i32
        %get3A_449 = arith.index_cast %add3A_448 : i32 to index
        %get3A_450 = arith.constant 48 : index
        %get3A_451 = tpu.vector_load %arg9[%get3A_449, %get3A_450] {strides = array<i32>} : memref<288x128xf32, #tpu.memory_space<vmem>>, vector<1x16xf32>,
        %get3A_452 = vector.shape_cast %get3A_451 : vector<1x16xf32> to vector<16xf32>
        %add3A_453 = arith.addf %add3A_446, %get3A_452 : vector<16xf32>
        %add3A_454 = arith.constant 6 : i32
        %add3A_455 = arith.addi %mul3A_195, %add3A_454 : i32
        %get3A_456 = arith.index_cast %add3A_455 : i32 to index
        %get3A_457 = arith.constant 48 : index
        %get3A_458 = tpu.vector_load %arg9[%get3A_456, %get3A_457] {strides = array<i32>} : memref<288x128xf32, #tpu.memory_space<vmem>>, vector<1x16xf32>,
        %get3A_459 = vector.shape_cast %get3A_458 : vector<1x16xf32> to vector<16xf32>
        %add3A_460 = arith.addf %add3A_453, %get3A_459 : vector<16xf32>
        %add3A_461 = arith.constant 7 : i32
        %add3A_462 = arith.addi %mul3A_195, %add3A_461 : i32
        %get3A_463 = arith.index_cast %add3A_462 : i32 to index
        %get3A_464 = arith.constant 48 : index
        %get3A_465 = tpu.vector_load %arg9[%get3A_463, %get3A_464] {strides = array<i32>} : memref<288x128xf32, #tpu.memory_space<vmem>>, vector<1x16xf32>,
        %get3A_466 = vector.shape_cast %get3A_465 : vector<1x16xf32> to vector<16xf32>
        %add3A_467 = arith.addf %add3A_460, %get3A_466 : vector<16xf32>
        %add3A_468 = arith.constant 8 : i32
        %add3A_469 = arith.addi %mul3A_195, %add3A_468 : i32
        %get3A_470 = arith.index_cast %add3A_469 : i32 to index
        %get3A_471 = arith.constant 48 : index
        %get3A_472 = tpu.vector_load %arg9[%get3A_470, %get3A_471] {strides = array<i32>} : memref<288x128xf32, #tpu.memory_space<vmem>>, vector<1x16xf32>,
        %get3A_473 = vector.shape_cast %get3A_472 : vector<1x16xf32> to vector<16xf32>
        %add3A_474 = arith.addf %add3A_467, %get3A_473 : vector<16xf32>
        %swap3A_475 = arith.index_cast %scan3A_192 : i32 to index
        %swap3A_476 = arith.constant 48 : index
        %swap3A_477 = tpu.vector_load %arg11[%swap3A_475, %swap3A_476] {strides = array<i32>} : memref<32x128xf32, #tpu.memory_space<vmem>>, vector<1x16xf32>,
        %swap3A_478 = vector.shape_cast %swap3A_477 : vector<1x16xf32> to vector<16xf32>
        %swap3A_479 = vector.shape_cast %add3A_474 : vector<16xf32> to vector<1x16xf32>
        tpu.vector_store %arg11[%swap3A_475, %swap3A_476], %swap3A_479 {strides = array<i32>} : memref<32x128xf32, #tpu.memory_space<vmem>>, vector<1x16xf32>,
        %get3A_480 = arith.constant 64 : index
        %get3A_481 = tpu.vector_load %arg13[%get3A_480] {strides = array<i32>} : memref<128xf32, #tpu.memory_space<vmem>>, vector<16xf32>,
        %get3A_482 = vector.shape_cast %get3A_481 : vector<16xf32> to vector<16xf32>
        %add3A_483 = arith.constant 0 : i32
        %add3A_484 = arith.addi %mul3A_195, %add3A_483 : i32
        %get3A_485 = arith.index_cast %add3A_484 : i32 to index
        %get3A_486 = arith.constant 64 : index
        %get3A_487 = tpu.vector_load %arg9[%get3A_485, %get3A_486] {strides = array<i32>} : memref<288x128xf32, #tpu.memory_space<vmem>>, vector<1x16xf32>,
        %get3A_488 = vector.shape_cast %get3A_487 : vector<1x16xf32> to vector<16xf32>
        %add3A_489 = arith.addf %get3A_482, %get3A_488 : vector<16xf32>
        %add3A_490 = arith.constant 1 : i32
        %add3A_491 = arith.addi %mul3A_195, %add3A_490 : i32
        %get3A_492 = arith.index_cast %add3A_491 : i32 to index
        %get3A_493 = arith.constant 64 : index
        %get3A_494 = tpu.vector_load %arg9[%get3A_492, %get3A_493] {strides = array<i32>} : memref<288x128xf32, #tpu.memory_space<vmem>>, vector<1x16xf32>,
        %get3A_495 = vector.shape_cast %get3A_494 : vector<1x16xf32> to vector<16xf32>
        %add3A_496 = arith.addf %add3A_489, %get3A_495 : vector<16xf32>
        %add3A_497 = arith.constant 2 : i32
        %add3A_498 = arith.addi %mul3A_195, %add3A_497 : i32
        %get3A_499 = arith.index_cast %add3A_498 : i32 to index
        %get3A_500 = arith.constant 64 : index
        %get3A_501 = tpu.vector_load %arg9[%get3A_499, %get3A_500] {strides = array<i32>} : memref<288x128xf32, #tpu.memory_space<vmem>>, vector<1x16xf32>,
        %get3A_502 = vector.shape_cast %get3A_501 : vector<1x16xf32> to vector<16xf32>
        %add3A_503 = arith.addf %add3A_496, %get3A_502 : vector<16xf32>
        %add3A_504 = arith.constant 3 : i32
        %add3A_505 = arith.addi %mul3A_195, %add3A_504 : i32
        %get3A_506 = arith.index_cast %add3A_505 : i32 to index
        %get3A_507 = arith.constant 64 : index
        %get3A_508 = tpu.vector_load %arg9[%get3A_506, %get3A_507] {strides = array<i32>} : memref<288x128xf32, #tpu.memory_space<vmem>>, vector<1x16xf32>,
        %get3A_509 = vector.shape_cast %get3A_508 : vector<1x16xf32> to vector<16xf32>
        %add3A_510 = arith.addf %add3A_503, %get3A_509 : vector<16xf32>
        %add3A_511 = arith.constant 4 : i32
        %add3A_512 = arith.addi %mul3A_195, %add3A_511 : i32
        %get3A_513 = arith.index_cast %add3A_512 : i32 to index
        %get3A_514 = arith.constant 64 : index
        %get3A_515 = tpu.vector_load %arg9[%get3A_513, %get3A_514] {strides = array<i32>} : memref<288x128xf32, #tpu.memory_space<vmem>>, vector<1x16xf32>,
        %get3A_516 = vector.shape_cast %get3A_515 : vector<1x16xf32> to vector<16xf32>
        %add3A_517 = arith.addf %add3A_510, %get3A_516 : vector<16xf32>
        %add3A_518 = arith.constant 5 : i32
        %add3A_519 = arith.addi %mul3A_195, %add3A_518 : i32
        %get3A_520 = arith.index_cast %add3A_519 : i32 to index
        %get3A_521 = arith.constant 64 : index
        %get3A_522 = tpu.vector_load %arg9[%get3A_520, %get3A_521] {strides = array<i32>} : memref<288x128xf32, #tpu.memory_space<vmem>>, vector<1x16xf32>,
        %get3A_523 = vector.shape_cast %get3A_522 : vector<1x16xf32> to vector<16xf32>
        %add3A_524 = arith.addf %add3A_517, %get3A_523 : vector<16xf32>
        %add3A_525 = arith.constant 6 : i32
        %add3A_526 = arith.addi %mul3A_195, %add3A_525 : i32
        %get3A_527 = arith.index_cast %add3A_526 : i32 to index
        %get3A_528 = arith.constant 64 : index
        %get3A_529 = tpu.vector_load %arg9[%get3A_527, %get3A_528] {strides = array<i32>} : memref<288x128xf32, #tpu.memory_space<vmem>>, vector<1x16xf32>,
        %get3A_530 = vector.shape_cast %get3A_529 : vector<1x16xf32> to vector<16xf32>
        %add3A_531 = arith.addf %add3A_524, %get3A_530 : vector<16xf32>
        %add3A_532 = arith.constant 7 : i32
        %add3A_533 = arith.addi %mul3A_195, %add3A_532 : i32
        %get3A_534 = arith.index_cast %add3A_533 : i32 to index
        %get3A_535 = arith.constant 64 : index
        %get3A_536 = tpu.vector_load %arg9[%get3A_534, %get3A_535] {strides = array<i32>} : memref<288x128xf32, #tpu.memory_space<vmem>>, vector<1x16xf32>,
        %get3A_537 = vector.shape_cast %get3A_536 : vector<1x16xf32> to vector<16xf32>
        %add3A_538 = arith.addf %add3A_531, %get3A_537 : vector<16xf32>
        %add3A_539 = arith.constant 8 : i32
        %add3A_540 = arith.addi %mul3A_195, %add3A_539 : i32
        %get3A_541 = arith.index_cast %add3A_540 : i32 to index
        %get3A_542 = arith.constant 64 : index
        %get3A_543 = tpu.vector_load %arg9[%get3A_541, %get3A_542] {strides = array<i32>} : memref<288x128xf32, #tpu.memory_space<vmem>>, vector<1x16xf32>,
        %get3A_544 = vector.shape_cast %get3A_543 : vector<1x16xf32> to vector<16xf32>
        %add3A_545 = arith.addf %add3A_538, %get3A_544 : vector<16xf32>
        %swap3A_546 = arith.index_cast %scan3A_192 : i32 to index
        %swap3A_547 = arith.constant 64 : index
        %swap3A_548 = tpu.vector_load %arg11[%swap3A_546, %swap3A_547] {strides = array<i32>} : memref<32x128xf32, #tpu.memory_space<vmem>>, vector<1x16xf32>,
        %swap3A_549 = vector.shape_cast %swap3A_548 : vector<1x16xf32> to vector<16xf32>
        %swap3A_550 = vector.shape_cast %add3A_545 : vector<16xf32> to vector<1x16xf32>
        tpu.vector_store %arg11[%swap3A_546, %swap3A_547], %swap3A_550 {strides = array<i32>} : memref<32x128xf32, #tpu.memory_space<vmem>>, vector<1x16xf32>,
        %get3A_551 = arith.constant 80 : index
        %get3A_552 = tpu.vector_load %arg13[%get3A_551] {strides = array<i32>} : memref<128xf32, #tpu.memory_space<vmem>>, vector<16xf32>,
        %get3A_553 = vector.shape_cast %get3A_552 : vector<16xf32> to vector<16xf32>
        %add3A_554 = arith.constant 0 : i32
        %add3A_555 = arith.addi %mul3A_195, %add3A_554 : i32
        %get3A_556 = arith.index_cast %add3A_555 : i32 to index
        %get3A_557 = arith.constant 80 : index
        %get3A_558 = tpu.vector_load %arg9[%get3A_556, %get3A_557] {strides = array<i32>} : memref<288x128xf32, #tpu.memory_space<vmem>>, vector<1x16xf32>,
        %get3A_559 = vector.shape_cast %get3A_558 : vector<1x16xf32> to vector<16xf32>
        %add3A_560 = arith.addf %get3A_553, %get3A_559 : vector<16xf32>
        %add3A_561 = arith.constant 1 : i32
        %add3A_562 = arith.addi %mul3A_195, %add3A_561 : i32
        %get3A_563 = arith.index_cast %add3A_562 : i32 to index
        %get3A_564 = arith.constant 80 : index
        %get3A_565 = tpu.vector_load %arg9[%get3A_563, %get3A_564] {strides = array<i32>} : memref<288x128xf32, #tpu.memory_space<vmem>>, vector<1x16xf32>,
        %get3A_566 = vector.shape_cast %get3A_565 : vector<1x16xf32> to vector<16xf32>
        %add3A_567 = arith.addf %add3A_560, %get3A_566 : vector<16xf32>
        %add3A_568 = arith.constant 2 : i32
        %add3A_569 = arith.addi %mul3A_195, %add3A_568 : i32
        %get3A_570 = arith.index_cast %add3A_569 : i32 to index
        %get3A_571 = arith.constant 80 : index
        %get3A_572 = tpu.vector_load %arg9[%get3A_570, %get3A_571] {strides = array<i32>} : memref<288x128xf32, #tpu.memory_space<vmem>>, vector<1x16xf32>,
        %get3A_573 = vector.shape_cast %get3A_572 : vector<1x16xf32> to vector<16xf32>
        %add3A_574 = arith.addf %add3A_567, %get3A_573 : vector<16xf32>
        %add3A_575 = arith.constant 3 : i32
        %add3A_576 = arith.addi %mul3A_195, %add3A_575 : i32
        %get3A_577 = arith.index_cast %add3A_576 : i32 to index
        %get3A_578 = arith.constant 80 : index
        %get3A_579 = tpu.vector_load %arg9[%get3A_577, %get3A_578] {strides = array<i32>} : memref<288x128xf32, #tpu.memory_space<vmem>>, vector<1x16xf32>,
        %get3A_580 = vector.shape_cast %get3A_579 : vector<1x16xf32> to vector<16xf32>
        %add3A_581 = arith.addf %add3A_574, %get3A_580 : vector<16xf32>
        %add3A_582 = arith.constant 4 : i32
        %add3A_583 = arith.addi %mul3A_195, %add3A_582 : i32
        %get3A_584 = arith.index_cast %add3A_583 : i32 to index
        %get3A_585 = arith.constant 80 : index
        %get3A_586 = tpu.vector_load %arg9[%get3A_584, %get3A_585] {strides = array<i32>} : memref<288x128xf32, #tpu.memory_space<vmem>>, vector<1x16xf32>,
        %get3A_587 = vector.shape_cast %get3A_586 : vector<1x16xf32> to vector<16xf32>
        %add3A_588 = arith.addf %add3A_581, %get3A_587 : vector<16xf32>
        %add3A_589 = arith.constant 5 : i32
        %add3A_590 = arith.addi %mul3A_195, %add3A_589 : i32
        %get3A_591 = arith.index_cast %add3A_590 : i32 to index
        %get3A_592 = arith.constant 80 : index
        %get3A_593 = tpu.vector_load %arg9[%get3A_591, %get3A_592] {strides = array<i32>} : memref<288x128xf32, #tpu.memory_space<vmem>>, vector<1x16xf32>,
        %get3A_594 = vector.shape_cast %get3A_593 : vector<1x16xf32> to vector<16xf32>
        %add3A_595 = arith.addf %add3A_588, %get3A_594 : vector<16xf32>
        %add3A_596 = arith.constant 6 : i32
        %add3A_597 = arith.addi %mul3A_195, %add3A_596 : i32
        %get3A_598 = arith.index_cast %add3A_597 : i32 to index
        %get3A_599 = arith.constant 80 : index
        %get3A_600 = tpu.vector_load %arg9[%get3A_598, %get3A_599] {strides = array<i32>} : memref<288x128xf32, #tpu.memory_space<vmem>>, vector<1x16xf32>,
        %get3A_601 = vector.shape_cast %get3A_600 : vector<1x16xf32> to vector<16xf32>
        %add3A_602 = arith.addf %add3A_595, %get3A_601 : vector<16xf32>
        %add3A_603 = arith.constant 7 : i32
        %add3A_604 = arith.addi %mul3A_195, %add3A_603 : i32
        %get3A_605 = arith.index_cast %add3A_604 : i32 to index
        %get3A_606 = arith.constant 80 : index
        %get3A_607 = tpu.vector_load %arg9[%get3A_605, %get3A_606] {strides = array<i32>} : memref<288x128xf32, #tpu.memory_space<vmem>>, vector<1x16xf32>,
        %get3A_608 = vector.shape_cast %get3A_607 : vector<1x16xf32> to vector<16xf32>
        %add3A_609 = arith.addf %add3A_602, %get3A_608 : vector<16xf32>
        %add3A_610 = arith.constant 8 : i32
        %add3A_611 = arith.addi %mul3A_195, %add3A_610 : i32
        %get3A_612 = arith.index_cast %add3A_611 : i32 to index
        %get3A_613 = arith.constant 80 : index
        %get3A_614 = tpu.vector_load %arg9[%get3A_612, %get3A_613] {strides = array<i32>} : memref<288x128xf32, #tpu.memory_space<vmem>>, vector<1x16xf32>,
        %get3A_615 = vector.shape_cast %get3A_614 : vector<1x16xf32> to vector<16xf32>
        %add3A_616 = arith.addf %add3A_609, %get3A_615 : vector<16xf32>
        %swap3A_617 = arith.index_cast %scan3A_192 : i32 to index
        %swap3A_618 = arith.constant 80 : index
        %swap3A_619 = tpu.vector_load %arg11[%swap3A_617, %swap3A_618] {strides = array<i32>} : memref<32x128xf32, #tpu.memory_space<vmem>>, vector<1x16xf32>,
        %swap3A_620 = vector.shape_cast %swap3A_619 : vector<1x16xf32> to vector<16xf32>
        %swap3A_621 = vector.shape_cast %add3A_616 : vector<16xf32> to vector<1x16xf32>
        tpu.vector_store %arg11[%swap3A_617, %swap3A_618], %swap3A_621 {strides = array<i32>} : memref<32x128xf32, #tpu.memory_space<vmem>>, vector<1x16xf32>,
        %get3A_622 = arith.constant 96 : index
        %get3A_623 = tpu.vector_load %arg13[%get3A_622] {strides = array<i32>} : memref<128xf32, #tpu.memory_space<vmem>>, vector<16xf32>,
        %get3A_624 = vector.shape_cast %get3A_623 : vector<16xf32> to vector<16xf32>
        %add3A_625 = arith.constant 0 : i32
        %add3A_626 = arith.addi %mul3A_195, %add3A_625 : i32
        %get3A_627 = arith.index_cast %add3A_626 : i32 to index
        %get3A_628 = arith.constant 96 : index
        %get3A_629 = tpu.vector_load %arg9[%get3A_627, %get3A_628] {strides = array<i32>} : memref<288x128xf32, #tpu.memory_space<vmem>>, vector<1x16xf32>,
        %get3A_630 = vector.shape_cast %get3A_629 : vector<1x16xf32> to vector<16xf32>
        %add3A_631 = arith.addf %get3A_624, %get3A_630 : vector<16xf32>
        %add3A_632 = arith.constant 1 : i32
        %add3A_633 = arith.addi %mul3A_195, %add3A_632 : i32
        %get3A_634 = arith.index_cast %add3A_633 : i32 to index
        %get3A_635 = arith.constant 96 : index
        %get3A_636 = tpu.vector_load %arg9[%get3A_634, %get3A_635] {strides = array<i32>} : memref<288x128xf32, #tpu.memory_space<vmem>>, vector<1x16xf32>,
        %get3A_637 = vector.shape_cast %get3A_636 : vector<1x16xf32> to vector<16xf32>
        %add3A_638 = arith.addf %add3A_631, %get3A_637 : vector<16xf32>
        %add3A_639 = arith.constant 2 : i32
        %add3A_640 = arith.addi %mul3A_195, %add3A_639 : i32
        %get3A_641 = arith.index_cast %add3A_640 : i32 to index
        %get3A_642 = arith.constant 96 : index
        %get3A_643 = tpu.vector_load %arg9[%get3A_641, %get3A_642] {strides = array<i32>} : memref<288x128xf32, #tpu.memory_space<vmem>>, vector<1x16xf32>,
        %get3A_644 = vector.shape_cast %get3A_643 : vector<1x16xf32> to vector<16xf32>
        %add3A_645 = arith.addf %add3A_638, %get3A_644 : vector<16xf32>
        %add3A_646 = arith.constant 3 : i32
        %add3A_647 = arith.addi %mul3A_195, %add3A_646 : i32
        %get3A_648 = arith.index_cast %add3A_647 : i32 to index
        %get3A_649 = arith.constant 96 : index
        %get3A_650 = tpu.vector_load %arg9[%get3A_648, %get3A_649] {strides = array<i32>} : memref<288x128xf32, #tpu.memory_space<vmem>>, vector<1x16xf32>,
        %get3A_651 = vector.shape_cast %get3A_650 : vector<1x16xf32> to vector<16xf32>
        %add3A_652 = arith.addf %add3A_645, %get3A_651 : vector<16xf32>
        %add3A_653 = arith.constant 4 : i32
        %add3A_654 = arith.addi %mul3A_195, %add3A_653 : i32
        %get3A_655 = arith.index_cast %add3A_654 : i32 to index
        %get3A_656 = arith.constant 96 : index
        %get3A_657 = tpu.vector_load %arg9[%get3A_655, %get3A_656] {strides = array<i32>} : memref<288x128xf32, #tpu.memory_space<vmem>>, vector<1x16xf32>,
        %get3A_658 = vector.shape_cast %get3A_657 : vector<1x16xf32> to vector<16xf32>
        %add3A_659 = arith.addf %add3A_652, %get3A_658 : vector<16xf32>
        %add3A_660 = arith.constant 5 : i32
        %add3A_661 = arith.addi %mul3A_195, %add3A_660 : i32
        %get3A_662 = arith.index_cast %add3A_661 : i32 to index
        %get3A_663 = arith.constant 96 : index
        %get3A_664 = tpu.vector_load %arg9[%get3A_662, %get3A_663] {strides = array<i32>} : memref<288x128xf32, #tpu.memory_space<vmem>>, vector<1x16xf32>,
        %get3A_665 = vector.shape_cast %get3A_664 : vector<1x16xf32> to vector<16xf32>
        %add3A_666 = arith.addf %add3A_659, %get3A_665 : vector<16xf32>
        %add3A_667 = arith.constant 6 : i32
        %add3A_668 = arith.addi %mul3A_195, %add3A_667 : i32
        %get3A_669 = arith.index_cast %add3A_668 : i32 to index
        %get3A_670 = arith.constant 96 : index
        %get3A_671 = tpu.vector_load %arg9[%get3A_669, %get3A_670] {strides = array<i32>} : memref<288x128xf32, #tpu.memory_space<vmem>>, vector<1x16xf32>,
        %get3A_672 = vector.shape_cast %get3A_671 : vector<1x16xf32> to vector<16xf32>
        %add3A_673 = arith.addf %add3A_666, %get3A_672 : vector<16xf32>
        %add3A_674 = arith.constant 7 : i32
        %add3A_675 = arith.addi %mul3A_195, %add3A_674 : i32
        %get3A_676 = arith.index_cast %add3A_675 : i32 to index
        %get3A_677 = arith.constant 96 : index
        %get3A_678 = tpu.vector_load %arg9[%get3A_676, %get3A_677] {strides = array<i32>} : memref<288x128xf32, #tpu.memory_space<vmem>>, vector<1x16xf32>,
        %get3A_679 = vector.shape_cast %get3A_678 : vector<1x16xf32> to vector<16xf32>
        %add3A_680 = arith.addf %add3A_673, %get3A_679 : vector<16xf32>
        %add3A_681 = arith.constant 8 : i32
        %add3A_682 = arith.addi %mul3A_195, %add3A_681 : i32
        %get3A_683 = arith.index_cast %add3A_682 : i32 to index
        %get3A_684 = arith.constant 96 : index
        %get3A_685 = tpu.vector_load %arg9[%get3A_683, %get3A_684] {strides = array<i32>} : memref<288x128xf32, #tpu.memory_space<vmem>>, vector<1x16xf32>,
        %get3A_686 = vector.shape_cast %get3A_685 : vector<1x16xf32> to vector<16xf32>
        %add3A_687 = arith.addf %add3A_680, %get3A_686 : vector<16xf32>
        %swap3A_688 = arith.index_cast %scan3A_192 : i32 to index
        %swap3A_689 = arith.constant 96 : index
        %swap3A_690 = tpu.vector_load %arg11[%swap3A_688, %swap3A_689] {strides = array<i32>} : memref<32x128xf32, #tpu.memory_space<vmem>>, vector<1x16xf32>,
        %swap3A_691 = vector.shape_cast %swap3A_690 : vector<1x16xf32> to vector<16xf32>
        %swap3A_692 = vector.shape_cast %add3A_687 : vector<16xf32> to vector<1x16xf32>
        tpu.vector_store %arg11[%swap3A_688, %swap3A_689], %swap3A_692 {strides = array<i32>} : memref<32x128xf32, #tpu.memory_space<vmem>>, vector<1x16xf32>,
        %get3A_693 = arith.constant 112 : index
        %get3A_694 = tpu.vector_load %arg13[%get3A_693] {strides = array<i32>} : memref<128xf32, #tpu.memory_space<vmem>>, vector<16xf32>,
        %get3A_695 = vector.shape_cast %get3A_694 : vector<16xf32> to vector<16xf32>
        %add3A_696 = arith.constant 0 : i32
        %add3A_697 = arith.addi %mul3A_195, %add3A_696 : i32
        %get3A_698 = arith.index_cast %add3A_697 : i32 to index
        %get3A_699 = arith.constant 112 : index
        %get3A_700 = tpu.vector_load %arg9[%get3A_698, %get3A_699] {strides = array<i32>} : memref<288x128xf32, #tpu.memory_space<vmem>>, vector<1x16xf32>,
        %get3A_701 = vector.shape_cast %get3A_700 : vector<1x16xf32> to vector<16xf32>
        %add3A_702 = arith.addf %get3A_695, %get3A_701 : vector<16xf32>
        %add3A_703 = arith.constant 1 : i32
        %add3A_704 = arith.addi %mul3A_195, %add3A_703 : i32
        %get3A_705 = arith.index_cast %add3A_704 : i32 to index
        %get3A_706 = arith.constant 112 : index
        %get3A_707 = tpu.vector_load %arg9[%get3A_705, %get3A_706] {strides = array<i32>} : memref<288x128xf32, #tpu.memory_space<vmem>>, vector<1x16xf32>,
        %get3A_708 = vector.shape_cast %get3A_707 : vector<1x16xf32> to vector<16xf32>
        %add3A_709 = arith.addf %add3A_702, %get3A_708 : vector<16xf32>
        %add3A_710 = arith.constant 2 : i32
        %add3A_711 = arith.addi %mul3A_195, %add3A_710 : i32
        %get3A_712 = arith.index_cast %add3A_711 : i32 to index
        %get3A_713 = arith.constant 112 : index
        %get3A_714 = tpu.vector_load %arg9[%get3A_712, %get3A_713] {strides = array<i32>} : memref<288x128xf32, #tpu.memory_space<vmem>>, vector<1x16xf32>,
        %get3A_715 = vector.shape_cast %get3A_714 : vector<1x16xf32> to vector<16xf32>
        %add3A_716 = arith.addf %add3A_709, %get3A_715 : vector<16xf32>
        %add3A_717 = arith.constant 3 : i32
        %add3A_718 = arith.addi %mul3A_195, %add3A_717 : i32
        %get3A_719 = arith.index_cast %add3A_718 : i32 to index
        %get3A_720 = arith.constant 112 : index
        %get3A_721 = tpu.vector_load %arg9[%get3A_719, %get3A_720] {strides = array<i32>} : memref<288x128xf32, #tpu.memory_space<vmem>>, vector<1x16xf32>,
        %get3A_722 = vector.shape_cast %get3A_721 : vector<1x16xf32> to vector<16xf32>
        %add3A_723 = arith.addf %add3A_716, %get3A_722 : vector<16xf32>
        %add3A_724 = arith.constant 4 : i32
        %add3A_725 = arith.addi %mul3A_195, %add3A_724 : i32
        %get3A_726 = arith.index_cast %add3A_725 : i32 to index
        %get3A_727 = arith.constant 112 : index
        %get3A_728 = tpu.vector_load %arg9[%get3A_726, %get3A_727] {strides = array<i32>} : memref<288x128xf32, #tpu.memory_space<vmem>>, vector<1x16xf32>,
        %get3A_729 = vector.shape_cast %get3A_728 : vector<1x16xf32> to vector<16xf32>
        %add3A_730 = arith.addf %add3A_723, %get3A_729 : vector<16xf32>
        %add3A_731 = arith.constant 5 : i32
        %add3A_732 = arith.addi %mul3A_195, %add3A_731 : i32
        %get3A_733 = arith.index_cast %add3A_732 : i32 to index
        %get3A_734 = arith.constant 112 : index
        %get3A_735 = tpu.vector_load %arg9[%get3A_733, %get3A_734] {strides = array<i32>} : memref<288x128xf32, #tpu.memory_space<vmem>>, vector<1x16xf32>,
        %get3A_736 = vector.shape_cast %get3A_735 : vector<1x16xf32> to vector<16xf32>
        %add3A_737 = arith.addf %add3A_730, %get3A_736 : vector<16xf32>
        %add3A_738 = arith.constant 6 : i32
        %add3A_739 = arith.addi %mul3A_195, %add3A_738 : i32
        %get3A_740 = arith.index_cast %add3A_739 : i32 to index
        %get3A_741 = arith.constant 112 : index
        %get3A_742 = tpu.vector_load %arg9[%get3A_740, %get3A_741] {strides = array<i32>} : memref<288x128xf32, #tpu.memory_space<vmem>>, vector<1x16xf32>,
        %get3A_743 = vector.shape_cast %get3A_742 : vector<1x16xf32> to vector<16xf32>
        %add3A_744 = arith.addf %add3A_737, %get3A_743 : vector<16xf32>
        %add3A_745 = arith.constant 7 : i32
        %add3A_746 = arith.addi %mul3A_195, %add3A_745 : i32
        %get3A_747 = arith.index_cast %add3A_746 : i32 to index
        %get3A_748 = arith.constant 112 : index
        %get3A_749 = tpu.vector_load %arg9[%get3A_747, %get3A_748] {strides = array<i32>} : memref<288x128xf32, #tpu.memory_space<vmem>>, vector<1x16xf32>,
        %get3A_750 = vector.shape_cast %get3A_749 : vector<1x16xf32> to vector<16xf32>
        %add3A_751 = arith.addf %add3A_744, %get3A_750 : vector<16xf32>
        %add3A_752 = arith.constant 8 : i32
        %add3A_753 = arith.addi %mul3A_195, %add3A_752 : i32
        %get3A_754 = arith.index_cast %add3A_753 : i32 to index
        %get3A_755 = arith.constant 112 : index
        %get3A_756 = tpu.vector_load %arg9[%get3A_754, %get3A_755] {strides = array<i32>} : memref<288x128xf32, #tpu.memory_space<vmem>>, vector<1x16xf32>,
        %get3A_757 = vector.shape_cast %get3A_756 : vector<1x16xf32> to vector<16xf32>
        %add3A_758 = arith.addf %add3A_751, %get3A_757 : vector<16xf32>
        %swap3A_759 = arith.index_cast %scan3A_192 : i32 to index
        %swap3A_760 = arith.constant 112 : index
        %swap3A_761 = tpu.vector_load %arg11[%swap3A_759, %swap3A_760] {strides = array<i32>} : memref<32x128xf32, #tpu.memory_space<vmem>>, vector<1x16xf32>,
        %swap3A_762 = vector.shape_cast %swap3A_761 : vector<1x16xf32> to vector<16xf32>
        %swap3A_763 = vector.shape_cast %add3A_758 : vector<16xf32> to vector<1x16xf32>
        tpu.vector_store %arg11[%swap3A_759, %swap3A_760], %swap3A_763 {strides = array<i32>} : memref<32x128xf32, #tpu.memory_space<vmem>>, vector<1x16xf32>,
        %scan3A_764 = arith.constant 0 : i32
        scf.yield %scan3A_764 : i32
      }
      %scan3A_141 = arith.constant 32 : i32
      %mul3A_142 = arith.constant 32 : i32
      %mul3A_143 = arith.muli %mul3A_126, %mul3A_142 : i32
      %add3A_144 = arith.addi %mul3A_2, %mul3A_143 : i32
      %dma_start3A_145 = arith.constant 0 : i32
      %dma_start3A_146 = tpu.memref_slice %arg6[%add3A_144, %dma_start3A_145] : memref<51200x128xf32, #tpu.memory_space<hbm>> -> memref<32x128xf32, #tpu.memory_space<hbm>>
      %dma_start3A_147 = arith.constant 0 : i32
      %dma_start3A_148 = tpu.memref_slice %arg6[%add3A_144, %dma_start3A_147] : memref<51200x128xf32, #tpu.memory_space<hbm>> -> memref<32x128xf32, #tpu.memory_space<hbm>>
      tpu.enqueue_dma source(%arg11 : memref<32x128xf32, #tpu.memory_space<vmem>>) target(%dma_start3A_148 : memref<32x128xf32, #tpu.memory_space<hbm>>) target_semaphore(%arg17 : memref<!tpu.dma_semaphore, #tpu.memory_space<semaphore_mem>>)
      %add3A_149 = arith.constant 2 : i32
      %add3A_150 = arith.addi %mul3A_126, %add3A_149 : i32
      %lt3A = arith.constant 50 : i32
      %lt3A_151 = arith.cmpi slt, %add3A_150, %lt3A : i32
      %convert_element_type3A_152 = arith.extui %lt3A_151 : i1 to i32
      %cond3A_153 = arith.constant 0 : i32
      %cond3A_154 = arith.cmpi ne, %convert_element_type3A_152, %cond3A_153 : i32
      scf.if %cond3A_154 {
        %add3A_192 = arith.constant 2 : i32
        %add3A_193 = arith.addi %mul3A_126, %add3A_192 : i32
        %mul3A_194 = arith.constant 288 : i32
        %mul3A_195 = arith.muli %add3A_193, %mul3A_194 : i32
        %dma_start3A_196 = tpu.memref_slice %arg8[%mul3A_195] : memref<14400xi32, #tpu.memory_space<vmem>> -> memref<288xi32, #tpu.memory_space<vmem>>
        %dma_start3A_197 = arith.constant 0 : i32
        %dma_start3A_198 = arith.constant 0 : i32
        %dma_start3A_199 = tpu.memref_slice %arg4[%dma_start3A_197, %dma_start3A_198] : memref<450000x128xf32, #tpu.memory_space<hbm>> -> memref<450000x128xf32, #tpu.memory_space<hbm>>
        tpu.enqueue_indirect_dma source(%dma_start3A_199 : memref<450000x128xf32, #tpu.memory_space<hbm>>) target(%arg9 : memref<288x128xf32, #tpu.memory_space<vmem>>) offsets(%dma_start3A_196 : memref<288xi32, #tpu.memory_space<vmem>>) semaphore(%arg15 : memref<!tpu.dma_semaphore, #tpu.memory_space<semaphore_mem>>)
      } else {
      }
      %mul3A_155 = arith.constant 2 : i32
      %mul3A_156 = arith.muli %scan3A_123, %mul3A_155 : i32
      %add3A_157 = arith.constant 1 : i32
      %add3A_158 = arith.addi %mul3A_156, %add3A_157 : i32
      %mul3A_159 = arith.constant 288 : i32
      %mul3A_160 = arith.muli %add3A_158, %mul3A_159 : i32
      %dma_wait3A_161 = tpu.memref_slice %arg8[%mul3A_160] : memref<14400xi32, #tpu.memory_space<vmem>> -> memref<288xi32, #tpu.memory_space<vmem>>
      %dma_wait3A_162 = arith.constant 0 : i32
      %dma_wait3A_163 = arith.constant 0 : i32
      %dma_wait3A_164 = tpu.memref_slice %arg4[%dma_wait3A_162, %dma_wait3A_163] : memref<450000x128xf32, #tpu.memory_space<hbm>> -> memref<450000x128xf32, #tpu.memory_space<hbm>>
      tpu.wait_indirect_dma semaphore(%arg16 : memref<!tpu.dma_semaphore, #tpu.memory_space<semaphore_mem>>) src(%dma_wait3A_164 : memref<450000x128xf32, #tpu.memory_space<hbm>>) dst(%arg10 : memref<288x128xf32, #tpu.memory_space<vmem>>)
      %gt3A_165 = arith.constant 0 : i32
      %gt3A_166 = arith.cmpi sgt, %scan3A_123, %gt3A_165 : i32
      %convert_element_type3A_167 = arith.extui %gt3A_166 : i1 to i32
      %cond3A_168 = arith.constant 0 : i32
      %cond3A_169 = arith.cmpi ne, %convert_element_type3A_167, %cond3A_168 : i32
      scf.if %cond3A_169 {
        %dma_wait3A_192 = arith.constant 0 : i32
        %dma_wait3A_193 = tpu.memref_slice %arg6[%mul3A_2, %dma_wait3A_192] : memref<51200x128xf32, #tpu.memory_space<hbm>> -> memref<32x128xf32, #tpu.memory_space<hbm>>
        %dma_wait3A_194 = arith.constant 0 : i32
        %dma_wait3A_195 = tpu.memref_slice %arg6[%mul3A_2, %dma_wait3A_194] : memref<51200x128xf32, #tpu.memory_space<hbm>> -> memref<32x128xf32, #tpu.memory_space<hbm>>
        tpu.wait_dma2 semaphore(%arg18 : memref<!tpu.dma_semaphore, #tpu.memory_space<semaphore_mem>>) src(%arg12 : memref<32x128xf32, #tpu.memory_space<vmem>>) dst(%dma_wait3A_195 : memref<32x128xf32, #tpu.memory_space<hbm>>)
      } else {
      }
      %scan3A_170 = arith.constant 0 : i32
      %scan3A_171 = arith.constant 0 : i32
      %scan3A_172 = arith.constant 32 : i32
      %scan3A_173 = arith.addi %scan3A_171, %scan3A_172 : i32
      %scan3A_174 = arith.constant 1 : i32
      %scan3A_175 = scf.for %scan3A_192 = %scan3A_171 to %scan3A_173 step %scan3A_174 iter_args(%scan3A_193 = %scan3A_170) -> (i32)  : i32 {
        %mul3A_194 = arith.constant 9 : i32
        %mul3A_195 = arith.muli %scan3A_192, %mul3A_194 : i32
        %get3A_196 = arith.constant 0 : index
        %get3A_197 = tpu.vector_load %arg13[%get3A_196] {strides = array<i32>} : memref<128xf32, #tpu.memory_space<vmem>>, vector<16xf32>,
        %get3A_198 = vector.shape_cast %get3A_197 : vector<16xf32> to vector<16xf32>
        %add3A_199 = arith.constant 0 : i32
        %add3A_200 = arith.addi %mul3A_195, %add3A_199 : i32
        %get3A_201 = arith.index_cast %add3A_200 : i32 to index
        %get3A_202 = arith.constant 0 : index
        %get3A_203 = tpu.vector_load %arg10[%get3A_201, %get3A_202] {strides = array<i32>} : memref<288x128xf32, #tpu.memory_space<vmem>>, vector<1x16xf32>,
        %get3A_204 = vector.shape_cast %get3A_203 : vector<1x16xf32> to vector<16xf32>
        %add3A_205 = arith.addf %get3A_198, %get3A_204 : vector<16xf32>
        %add3A_206 = arith.constant 1 : i32
        %add3A_207 = arith.addi %mul3A_195, %add3A_206 : i32
        %get3A_208 = arith.index_cast %add3A_207 : i32 to index
        %get3A_209 = arith.constant 0 : index
        %get3A_210 = tpu.vector_load %arg10[%get3A_208, %get3A_209] {strides = array<i32>} : memref<288x128xf32, #tpu.memory_space<vmem>>, vector<1x16xf32>,
        %get3A_211 = vector.shape_cast %get3A_210 : vector<1x16xf32> to vector<16xf32>
        %add3A_212 = arith.addf %add3A_205, %get3A_211 : vector<16xf32>
        %add3A_213 = arith.constant 2 : i32
        %add3A_214 = arith.addi %mul3A_195, %add3A_213 : i32
        %get3A_215 = arith.index_cast %add3A_214 : i32 to index
        %get3A_216 = arith.constant 0 : index
        %get3A_217 = tpu.vector_load %arg10[%get3A_215, %get3A_216] {strides = array<i32>} : memref<288x128xf32, #tpu.memory_space<vmem>>, vector<1x16xf32>,
        %get3A_218 = vector.shape_cast %get3A_217 : vector<1x16xf32> to vector<16xf32>
        %add3A_219 = arith.addf %add3A_212, %get3A_218 : vector<16xf32>
        %add3A_220 = arith.constant 3 : i32
        %add3A_221 = arith.addi %mul3A_195, %add3A_220 : i32
        %get3A_222 = arith.index_cast %add3A_221 : i32 to index
        %get3A_223 = arith.constant 0 : index
        %get3A_224 = tpu.vector_load %arg10[%get3A_222, %get3A_223] {strides = array<i32>} : memref<288x128xf32, #tpu.memory_space<vmem>>, vector<1x16xf32>,
        %get3A_225 = vector.shape_cast %get3A_224 : vector<1x16xf32> to vector<16xf32>
        %add3A_226 = arith.addf %add3A_219, %get3A_225 : vector<16xf32>
        %add3A_227 = arith.constant 4 : i32
        %add3A_228 = arith.addi %mul3A_195, %add3A_227 : i32
        %get3A_229 = arith.index_cast %add3A_228 : i32 to index
        %get3A_230 = arith.constant 0 : index
        %get3A_231 = tpu.vector_load %arg10[%get3A_229, %get3A_230] {strides = array<i32>} : memref<288x128xf32, #tpu.memory_space<vmem>>, vector<1x16xf32>,
        %get3A_232 = vector.shape_cast %get3A_231 : vector<1x16xf32> to vector<16xf32>
        %add3A_233 = arith.addf %add3A_226, %get3A_232 : vector<16xf32>
        %add3A_234 = arith.constant 5 : i32
        %add3A_235 = arith.addi %mul3A_195, %add3A_234 : i32
        %get3A_236 = arith.index_cast %add3A_235 : i32 to index
        %get3A_237 = arith.constant 0 : index
        %get3A_238 = tpu.vector_load %arg10[%get3A_236, %get3A_237] {strides = array<i32>} : memref<288x128xf32, #tpu.memory_space<vmem>>, vector<1x16xf32>,
        %get3A_239 = vector.shape_cast %get3A_238 : vector<1x16xf32> to vector<16xf32>
        %add3A_240 = arith.addf %add3A_233, %get3A_239 : vector<16xf32>
        %add3A_241 = arith.constant 6 : i32
        %add3A_242 = arith.addi %mul3A_195, %add3A_241 : i32
        %get3A_243 = arith.index_cast %add3A_242 : i32 to index
        %get3A_244 = arith.constant 0 : index
        %get3A_245 = tpu.vector_load %arg10[%get3A_243, %get3A_244] {strides = array<i32>} : memref<288x128xf32, #tpu.memory_space<vmem>>, vector<1x16xf32>,
        %get3A_246 = vector.shape_cast %get3A_245 : vector<1x16xf32> to vector<16xf32>
        %add3A_247 = arith.addf %add3A_240, %get3A_246 : vector<16xf32>
        %add3A_248 = arith.constant 7 : i32
        %add3A_249 = arith.addi %mul3A_195, %add3A_248 : i32
        %get3A_250 = arith.index_cast %add3A_249 : i32 to index
        %get3A_251 = arith.constant 0 : index
        %get3A_252 = tpu.vector_load %arg10[%get3A_250, %get3A_251] {strides = array<i32>} : memref<288x128xf32, #tpu.memory_space<vmem>>, vector<1x16xf32>,
        %get3A_253 = vector.shape_cast %get3A_252 : vector<1x16xf32> to vector<16xf32>
        %add3A_254 = arith.addf %add3A_247, %get3A_253 : vector<16xf32>
        %add3A_255 = arith.constant 8 : i32
        %add3A_256 = arith.addi %mul3A_195, %add3A_255 : i32
        %get3A_257 = arith.index_cast %add3A_256 : i32 to index
        %get3A_258 = arith.constant 0 : index
        %get3A_259 = tpu.vector_load %arg10[%get3A_257, %get3A_258] {strides = array<i32>} : memref<288x128xf32, #tpu.memory_space<vmem>>, vector<1x16xf32>,
        %get3A_260 = vector.shape_cast %get3A_259 : vector<1x16xf32> to vector<16xf32>
        %add3A_261 = arith.addf %add3A_254, %get3A_260 : vector<16xf32>
        %swap3A_262 = arith.index_cast %scan3A_192 : i32 to index
        %swap3A_263 = arith.constant 0 : index
        %swap3A_264 = tpu.vector_load %arg12[%swap3A_262, %swap3A_263] {strides = array<i32>} : memref<32x128xf32, #tpu.memory_space<vmem>>, vector<1x16xf32>,
        %swap3A_265 = vector.shape_cast %swap3A_264 : vector<1x16xf32> to vector<16xf32>
        %swap3A_266 = vector.shape_cast %add3A_261 : vector<16xf32> to vector<1x16xf32>
        tpu.vector_store %arg12[%swap3A_262, %swap3A_263], %swap3A_266 {strides = array<i32>} : memref<32x128xf32, #tpu.memory_space<vmem>>, vector<1x16xf32>,
        %get3A_267 = arith.constant 16 : index
        %get3A_268 = tpu.vector_load %arg13[%get3A_267] {strides = array<i32>} : memref<128xf32, #tpu.memory_space<vmem>>, vector<16xf32>,
        %get3A_269 = vector.shape_cast %get3A_268 : vector<16xf32> to vector<16xf32>
        %add3A_270 = arith.constant 0 : i32
        %add3A_271 = arith.addi %mul3A_195, %add3A_270 : i32
        %get3A_272 = arith.index_cast %add3A_271 : i32 to index
        %get3A_273 = arith.constant 16 : index
        %get3A_274 = tpu.vector_load %arg10[%get3A_272, %get3A_273] {strides = array<i32>} : memref<288x128xf32, #tpu.memory_space<vmem>>, vector<1x16xf32>,
        %get3A_275 = vector.shape_cast %get3A_274 : vector<1x16xf32> to vector<16xf32>
        %add3A_276 = arith.addf %get3A_269, %get3A_275 : vector<16xf32>
        %add3A_277 = arith.constant 1 : i32
        %add3A_278 = arith.addi %mul3A_195, %add3A_277 : i32
        %get3A_279 = arith.index_cast %add3A_278 : i32 to index
        %get3A_280 = arith.constant 16 : index
        %get3A_281 = tpu.vector_load %arg10[%get3A_279, %get3A_280] {strides = array<i32>} : memref<288x128xf32, #tpu.memory_space<vmem>>, vector<1x16xf32>,
        %get3A_282 = vector.shape_cast %get3A_281 : vector<1x16xf32> to vector<16xf32>
        %add3A_283 = arith.addf %add3A_276, %get3A_282 : vector<16xf32>
        %add3A_284 = arith.constant 2 : i32
        %add3A_285 = arith.addi %mul3A_195, %add3A_284 : i32
        %get3A_286 = arith.index_cast %add3A_285 : i32 to index
        %get3A_287 = arith.constant 16 : index
        %get3A_288 = tpu.vector_load %arg10[%get3A_286, %get3A_287] {strides = array<i32>} : memref<288x128xf32, #tpu.memory_space<vmem>>, vector<1x16xf32>,
        %get3A_289 = vector.shape_cast %get3A_288 : vector<1x16xf32> to vector<16xf32>
        %add3A_290 = arith.addf %add3A_283, %get3A_289 : vector<16xf32>
        %add3A_291 = arith.constant 3 : i32
        %add3A_292 = arith.addi %mul3A_195, %add3A_291 : i32
        %get3A_293 = arith.index_cast %add3A_292 : i32 to index
        %get3A_294 = arith.constant 16 : index
        %get3A_295 = tpu.vector_load %arg10[%get3A_293, %get3A_294] {strides = array<i32>} : memref<288x128xf32, #tpu.memory_space<vmem>>, vector<1x16xf32>,
        %get3A_296 = vector.shape_cast %get3A_295 : vector<1x16xf32> to vector<16xf32>
        %add3A_297 = arith.addf %add3A_290, %get3A_296 : vector<16xf32>
        %add3A_298 = arith.constant 4 : i32
        %add3A_299 = arith.addi %mul3A_195, %add3A_298 : i32
        %get3A_300 = arith.index_cast %add3A_299 : i32 to index
        %get3A_301 = arith.constant 16 : index
        %get3A_302 = tpu.vector_load %arg10[%get3A_300, %get3A_301] {strides = array<i32>} : memref<288x128xf32, #tpu.memory_space<vmem>>, vector<1x16xf32>,
        %get3A_303 = vector.shape_cast %get3A_302 : vector<1x16xf32> to vector<16xf32>
        %add3A_304 = arith.addf %add3A_297, %get3A_303 : vector<16xf32>
        %add3A_305 = arith.constant 5 : i32
        %add3A_306 = arith.addi %mul3A_195, %add3A_305 : i32
        %get3A_307 = arith.index_cast %add3A_306 : i32 to index
        %get3A_308 = arith.constant 16 : index
        %get3A_309 = tpu.vector_load %arg10[%get3A_307, %get3A_308] {strides = array<i32>} : memref<288x128xf32, #tpu.memory_space<vmem>>, vector<1x16xf32>,
        %get3A_310 = vector.shape_cast %get3A_309 : vector<1x16xf32> to vector<16xf32>
        %add3A_311 = arith.addf %add3A_304, %get3A_310 : vector<16xf32>
        %add3A_312 = arith.constant 6 : i32
        %add3A_313 = arith.addi %mul3A_195, %add3A_312 : i32
        %get3A_314 = arith.index_cast %add3A_313 : i32 to index
        %get3A_315 = arith.constant 16 : index
        %get3A_316 = tpu.vector_load %arg10[%get3A_314, %get3A_315] {strides = array<i32>} : memref<288x128xf32, #tpu.memory_space<vmem>>, vector<1x16xf32>,
        %get3A_317 = vector.shape_cast %get3A_316 : vector<1x16xf32> to vector<16xf32>
        %add3A_318 = arith.addf %add3A_311, %get3A_317 : vector<16xf32>
        %add3A_319 = arith.constant 7 : i32
        %add3A_320 = arith.addi %mul3A_195, %add3A_319 : i32
        %get3A_321 = arith.index_cast %add3A_320 : i32 to index
        %get3A_322 = arith.constant 16 : index
        %get3A_323 = tpu.vector_load %arg10[%get3A_321, %get3A_322] {strides = array<i32>} : memref<288x128xf32, #tpu.memory_space<vmem>>, vector<1x16xf32>,
        %get3A_324 = vector.shape_cast %get3A_323 : vector<1x16xf32> to vector<16xf32>
        %add3A_325 = arith.addf %add3A_318, %get3A_324 : vector<16xf32>
        %add3A_326 = arith.constant 8 : i32
        %add3A_327 = arith.addi %mul3A_195, %add3A_326 : i32
        %get3A_328 = arith.index_cast %add3A_327 : i32 to index
        %get3A_329 = arith.constant 16 : index
        %get3A_330 = tpu.vector_load %arg10[%get3A_328, %get3A_329] {strides = array<i32>} : memref<288x128xf32, #tpu.memory_space<vmem>>, vector<1x16xf32>,
        %get3A_331 = vector.shape_cast %get3A_330 : vector<1x16xf32> to vector<16xf32>
        %add3A_332 = arith.addf %add3A_325, %get3A_331 : vector<16xf32>
        %swap3A_333 = arith.index_cast %scan3A_192 : i32 to index
        %swap3A_334 = arith.constant 16 : index
        %swap3A_335 = tpu.vector_load %arg12[%swap3A_333, %swap3A_334] {strides = array<i32>} : memref<32x128xf32, #tpu.memory_space<vmem>>, vector<1x16xf32>,
        %swap3A_336 = vector.shape_cast %swap3A_335 : vector<1x16xf32> to vector<16xf32>
        %swap3A_337 = vector.shape_cast %add3A_332 : vector<16xf32> to vector<1x16xf32>
        tpu.vector_store %arg12[%swap3A_333, %swap3A_334], %swap3A_337 {strides = array<i32>} : memref<32x128xf32, #tpu.memory_space<vmem>>, vector<1x16xf32>,
        %get3A_338 = arith.constant 32 : index
        %get3A_339 = tpu.vector_load %arg13[%get3A_338] {strides = array<i32>} : memref<128xf32, #tpu.memory_space<vmem>>, vector<16xf32>,
        %get3A_340 = vector.shape_cast %get3A_339 : vector<16xf32> to vector<16xf32>
        %add3A_341 = arith.constant 0 : i32
        %add3A_342 = arith.addi %mul3A_195, %add3A_341 : i32
        %get3A_343 = arith.index_cast %add3A_342 : i32 to index
        %get3A_344 = arith.constant 32 : index
        %get3A_345 = tpu.vector_load %arg10[%get3A_343, %get3A_344] {strides = array<i32>} : memref<288x128xf32, #tpu.memory_space<vmem>>, vector<1x16xf32>,
        %get3A_346 = vector.shape_cast %get3A_345 : vector<1x16xf32> to vector<16xf32>
        %add3A_347 = arith.addf %get3A_340, %get3A_346 : vector<16xf32>
        %add3A_348 = arith.constant 1 : i32
        %add3A_349 = arith.addi %mul3A_195, %add3A_348 : i32
        %get3A_350 = arith.index_cast %add3A_349 : i32 to index
        %get3A_351 = arith.constant 32 : index
        %get3A_352 = tpu.vector_load %arg10[%get3A_350, %get3A_351] {strides = array<i32>} : memref<288x128xf32, #tpu.memory_space<vmem>>, vector<1x16xf32>,
        %get3A_353 = vector.shape_cast %get3A_352 : vector<1x16xf32> to vector<16xf32>
        %add3A_354 = arith.addf %add3A_347, %get3A_353 : vector<16xf32>
        %add3A_355 = arith.constant 2 : i32
        %add3A_356 = arith.addi %mul3A_195, %add3A_355 : i32
        %get3A_357 = arith.index_cast %add3A_356 : i32 to index
        %get3A_358 = arith.constant 32 : index
        %get3A_359 = tpu.vector_load %arg10[%get3A_357, %get3A_358] {strides = array<i32>} : memref<288x128xf32, #tpu.memory_space<vmem>>, vector<1x16xf32>,
        %get3A_360 = vector.shape_cast %get3A_359 : vector<1x16xf32> to vector<16xf32>
        %add3A_361 = arith.addf %add3A_354, %get3A_360 : vector<16xf32>
        %add3A_362 = arith.constant 3 : i32
        %add3A_363 = arith.addi %mul3A_195, %add3A_362 : i32
        %get3A_364 = arith.index_cast %add3A_363 : i32 to index
        %get3A_365 = arith.constant 32 : index
        %get3A_366 = tpu.vector_load %arg10[%get3A_364, %get3A_365] {strides = array<i32>} : memref<288x128xf32, #tpu.memory_space<vmem>>, vector<1x16xf32>,
        %get3A_367 = vector.shape_cast %get3A_366 : vector<1x16xf32> to vector<16xf32>
        %add3A_368 = arith.addf %add3A_361, %get3A_367 : vector<16xf32>
        %add3A_369 = arith.constant 4 : i32
        %add3A_370 = arith.addi %mul3A_195, %add3A_369 : i32
        %get3A_371 = arith.index_cast %add3A_370 : i32 to index
        %get3A_372 = arith.constant 32 : index
        %get3A_373 = tpu.vector_load %arg10[%get3A_371, %get3A_372] {strides = array<i32>} : memref<288x128xf32, #tpu.memory_space<vmem>>, vector<1x16xf32>,
        %get3A_374 = vector.shape_cast %get3A_373 : vector<1x16xf32> to vector<16xf32>
        %add3A_375 = arith.addf %add3A_368, %get3A_374 : vector<16xf32>
        %add3A_376 = arith.constant 5 : i32
        %add3A_377 = arith.addi %mul3A_195, %add3A_376 : i32
        %get3A_378 = arith.index_cast %add3A_377 : i32 to index
        %get3A_379 = arith.constant 32 : index
        %get3A_380 = tpu.vector_load %arg10[%get3A_378, %get3A_379] {strides = array<i32>} : memref<288x128xf32, #tpu.memory_space<vmem>>, vector<1x16xf32>,
        %get3A_381 = vector.shape_cast %get3A_380 : vector<1x16xf32> to vector<16xf32>
        %add3A_382 = arith.addf %add3A_375, %get3A_381 : vector<16xf32>
        %add3A_383 = arith.constant 6 : i32
        %add3A_384 = arith.addi %mul3A_195, %add3A_383 : i32
        %get3A_385 = arith.index_cast %add3A_384 : i32 to index
        %get3A_386 = arith.constant 32 : index
        %get3A_387 = tpu.vector_load %arg10[%get3A_385, %get3A_386] {strides = array<i32>} : memref<288x128xf32, #tpu.memory_space<vmem>>, vector<1x16xf32>,
        %get3A_388 = vector.shape_cast %get3A_387 : vector<1x16xf32> to vector<16xf32>
        %add3A_389 = arith.addf %add3A_382, %get3A_388 : vector<16xf32>
        %add3A_390 = arith.constant 7 : i32
        %add3A_391 = arith.addi %mul3A_195, %add3A_390 : i32
        %get3A_392 = arith.index_cast %add3A_391 : i32 to index
        %get3A_393 = arith.constant 32 : index
        %get3A_394 = tpu.vector_load %arg10[%get3A_392, %get3A_393] {strides = array<i32>} : memref<288x128xf32, #tpu.memory_space<vmem>>, vector<1x16xf32>,
        %get3A_395 = vector.shape_cast %get3A_394 : vector<1x16xf32> to vector<16xf32>
        %add3A_396 = arith.addf %add3A_389, %get3A_395 : vector<16xf32>
        %add3A_397 = arith.constant 8 : i32
        %add3A_398 = arith.addi %mul3A_195, %add3A_397 : i32
        %get3A_399 = arith.index_cast %add3A_398 : i32 to index
        %get3A_400 = arith.constant 32 : index
        %get3A_401 = tpu.vector_load %arg10[%get3A_399, %get3A_400] {strides = array<i32>} : memref<288x128xf32, #tpu.memory_space<vmem>>, vector<1x16xf32>,
        %get3A_402 = vector.shape_cast %get3A_401 : vector<1x16xf32> to vector<16xf32>
        %add3A_403 = arith.addf %add3A_396, %get3A_402 : vector<16xf32>
        %swap3A_404 = arith.index_cast %scan3A_192 : i32 to index
        %swap3A_405 = arith.constant 32 : index
        %swap3A_406 = tpu.vector_load %arg12[%swap3A_404, %swap3A_405] {strides = array<i32>} : memref<32x128xf32, #tpu.memory_space<vmem>>, vector<1x16xf32>,
        %swap3A_407 = vector.shape_cast %swap3A_406 : vector<1x16xf32> to vector<16xf32>
        %swap3A_408 = vector.shape_cast %add3A_403 : vector<16xf32> to vector<1x16xf32>
        tpu.vector_store %arg12[%swap3A_404, %swap3A_405], %swap3A_408 {strides = array<i32>} : memref<32x128xf32, #tpu.memory_space<vmem>>, vector<1x16xf32>,
        %get3A_409 = arith.constant 48 : index
        %get3A_410 = tpu.vector_load %arg13[%get3A_409] {strides = array<i32>} : memref<128xf32, #tpu.memory_space<vmem>>, vector<16xf32>,
        %get3A_411 = vector.shape_cast %get3A_410 : vector<16xf32> to vector<16xf32>
        %add3A_412 = arith.constant 0 : i32
        %add3A_413 = arith.addi %mul3A_195, %add3A_412 : i32
        %get3A_414 = arith.index_cast %add3A_413 : i32 to index
        %get3A_415 = arith.constant 48 : index
        %get3A_416 = tpu.vector_load %arg10[%get3A_414, %get3A_415] {strides = array<i32>} : memref<288x128xf32, #tpu.memory_space<vmem>>, vector<1x16xf32>,
        %get3A_417 = vector.shape_cast %get3A_416 : vector<1x16xf32> to vector<16xf32>
        %add3A_418 = arith.addf %get3A_411, %get3A_417 : vector<16xf32>
        %add3A_419 = arith.constant 1 : i32
        %add3A_420 = arith.addi %mul3A_195, %add3A_419 : i32
        %get3A_421 = arith.index_cast %add3A_420 : i32 to index
        %get3A_422 = arith.constant 48 : index
        %get3A_423 = tpu.vector_load %arg10[%get3A_421, %get3A_422] {strides = array<i32>} : memref<288x128xf32, #tpu.memory_space<vmem>>, vector<1x16xf32>,
        %get3A_424 = vector.shape_cast %get3A_423 : vector<1x16xf32> to vector<16xf32>
        %add3A_425 = arith.addf %add3A_418, %get3A_424 : vector<16xf32>
        %add3A_426 = arith.constant 2 : i32
        %add3A_427 = arith.addi %mul3A_195, %add3A_426 : i32
        %get3A_428 = arith.index_cast %add3A_427 : i32 to index
        %get3A_429 = arith.constant 48 : index
        %get3A_430 = tpu.vector_load %arg10[%get3A_428, %get3A_429] {strides = array<i32>} : memref<288x128xf32, #tpu.memory_space<vmem>>, vector<1x16xf32>,
        %get3A_431 = vector.shape_cast %get3A_430 : vector<1x16xf32> to vector<16xf32>
        %add3A_432 = arith.addf %add3A_425, %get3A_431 : vector<16xf32>
        %add3A_433 = arith.constant 3 : i32
        %add3A_434 = arith.addi %mul3A_195, %add3A_433 : i32
        %get3A_435 = arith.index_cast %add3A_434 : i32 to index
        %get3A_436 = arith.constant 48 : index
        %get3A_437 = tpu.vector_load %arg10[%get3A_435, %get3A_436] {strides = array<i32>} : memref<288x128xf32, #tpu.memory_space<vmem>>, vector<1x16xf32>,
        %get3A_438 = vector.shape_cast %get3A_437 : vector<1x16xf32> to vector<16xf32>
        %add3A_439 = arith.addf %add3A_432, %get3A_438 : vector<16xf32>
        %add3A_440 = arith.constant 4 : i32
        %add3A_441 = arith.addi %mul3A_195, %add3A_440 : i32
        %get3A_442 = arith.index_cast %add3A_441 : i32 to index
        %get3A_443 = arith.constant 48 : index
        %get3A_444 = tpu.vector_load %arg10[%get3A_442, %get3A_443] {strides = array<i32>} : memref<288x128xf32, #tpu.memory_space<vmem>>, vector<1x16xf32>,
        %get3A_445 = vector.shape_cast %get3A_444 : vector<1x16xf32> to vector<16xf32>
        %add3A_446 = arith.addf %add3A_439, %get3A_445 : vector<16xf32>
        %add3A_447 = arith.constant 5 : i32
        %add3A_448 = arith.addi %mul3A_195, %add3A_447 : i32
        %get3A_449 = arith.index_cast %add3A_448 : i32 to index
        %get3A_450 = arith.constant 48 : index
        %get3A_451 = tpu.vector_load %arg10[%get3A_449, %get3A_450] {strides = array<i32>} : memref<288x128xf32, #tpu.memory_space<vmem>>, vector<1x16xf32>,
        %get3A_452 = vector.shape_cast %get3A_451 : vector<1x16xf32> to vector<16xf32>
        %add3A_453 = arith.addf %add3A_446, %get3A_452 : vector<16xf32>
        %add3A_454 = arith.constant 6 : i32
        %add3A_455 = arith.addi %mul3A_195, %add3A_454 : i32
        %get3A_456 = arith.index_cast %add3A_455 : i32 to index
        %get3A_457 = arith.constant 48 : index
        %get3A_458 = tpu.vector_load %arg10[%get3A_456, %get3A_457] {strides = array<i32>} : memref<288x128xf32, #tpu.memory_space<vmem>>, vector<1x16xf32>,
        %get3A_459 = vector.shape_cast %get3A_458 : vector<1x16xf32> to vector<16xf32>
        %add3A_460 = arith.addf %add3A_453, %get3A_459 : vector<16xf32>
        %add3A_461 = arith.constant 7 : i32
        %add3A_462 = arith.addi %mul3A_195, %add3A_461 : i32
        %get3A_463 = arith.index_cast %add3A_462 : i32 to index
        %get3A_464 = arith.constant 48 : index
        %get3A_465 = tpu.vector_load %arg10[%get3A_463, %get3A_464] {strides = array<i32>} : memref<288x128xf32, #tpu.memory_space<vmem>>, vector<1x16xf32>,
        %get3A_466 = vector.shape_cast %get3A_465 : vector<1x16xf32> to vector<16xf32>
        %add3A_467 = arith.addf %add3A_460, %get3A_466 : vector<16xf32>
        %add3A_468 = arith.constant 8 : i32
        %add3A_469 = arith.addi %mul3A_195, %add3A_468 : i32
        %get3A_470 = arith.index_cast %add3A_469 : i32 to index
        %get3A_471 = arith.constant 48 : index
        %get3A_472 = tpu.vector_load %arg10[%get3A_470, %get3A_471] {strides = array<i32>} : memref<288x128xf32, #tpu.memory_space<vmem>>, vector<1x16xf32>,
        %get3A_473 = vector.shape_cast %get3A_472 : vector<1x16xf32> to vector<16xf32>
        %add3A_474 = arith.addf %add3A_467, %get3A_473 : vector<16xf32>
        %swap3A_475 = arith.index_cast %scan3A_192 : i32 to index
        %swap3A_476 = arith.constant 48 : index
        %swap3A_477 = tpu.vector_load %arg12[%swap3A_475, %swap3A_476] {strides = array<i32>} : memref<32x128xf32, #tpu.memory_space<vmem>>, vector<1x16xf32>,
        %swap3A_478 = vector.shape_cast %swap3A_477 : vector<1x16xf32> to vector<16xf32>
        %swap3A_479 = vector.shape_cast %add3A_474 : vector<16xf32> to vector<1x16xf32>
        tpu.vector_store %arg12[%swap3A_475, %swap3A_476], %swap3A_479 {strides = array<i32>} : memref<32x128xf32, #tpu.memory_space<vmem>>, vector<1x16xf32>,
        %get3A_480 = arith.constant 64 : index
        %get3A_481 = tpu.vector_load %arg13[%get3A_480] {strides = array<i32>} : memref<128xf32, #tpu.memory_space<vmem>>, vector<16xf32>,
        %get3A_482 = vector.shape_cast %get3A_481 : vector<16xf32> to vector<16xf32>
        %add3A_483 = arith.constant 0 : i32
        %add3A_484 = arith.addi %mul3A_195, %add3A_483 : i32
        %get3A_485 = arith.index_cast %add3A_484 : i32 to index
        %get3A_486 = arith.constant 64 : index
        %get3A_487 = tpu.vector_load %arg10[%get3A_485, %get3A_486] {strides = array<i32>} : memref<288x128xf32, #tpu.memory_space<vmem>>, vector<1x16xf32>,
        %get3A_488 = vector.shape_cast %get3A_487 : vector<1x16xf32> to vector<16xf32>
        %add3A_489 = arith.addf %get3A_482, %get3A_488 : vector<16xf32>
        %add3A_490 = arith.constant 1 : i32
        %add3A_491 = arith.addi %mul3A_195, %add3A_490 : i32
        %get3A_492 = arith.index_cast %add3A_491 : i32 to index
        %get3A_493 = arith.constant 64 : index
        %get3A_494 = tpu.vector_load %arg10[%get3A_492, %get3A_493] {strides = array<i32>} : memref<288x128xf32, #tpu.memory_space<vmem>>, vector<1x16xf32>,
        %get3A_495 = vector.shape_cast %get3A_494 : vector<1x16xf32> to vector<16xf32>
        %add3A_496 = arith.addf %add3A_489, %get3A_495 : vector<16xf32>
        %add3A_497 = arith.constant 2 : i32
        %add3A_498 = arith.addi %mul3A_195, %add3A_497 : i32
        %get3A_499 = arith.index_cast %add3A_498 : i32 to index
        %get3A_500 = arith.constant 64 : index
        %get3A_501 = tpu.vector_load %arg10[%get3A_499, %get3A_500] {strides = array<i32>} : memref<288x128xf32, #tpu.memory_space<vmem>>, vector<1x16xf32>,
        %get3A_502 = vector.shape_cast %get3A_501 : vector<1x16xf32> to vector<16xf32>
        %add3A_503 = arith.addf %add3A_496, %get3A_502 : vector<16xf32>
        %add3A_504 = arith.constant 3 : i32
        %add3A_505 = arith.addi %mul3A_195, %add3A_504 : i32
        %get3A_506 = arith.index_cast %add3A_505 : i32 to index
        %get3A_507 = arith.constant 64 : index
        %get3A_508 = tpu.vector_load %arg10[%get3A_506, %get3A_507] {strides = array<i32>} : memref<288x128xf32, #tpu.memory_space<vmem>>, vector<1x16xf32>,
        %get3A_509 = vector.shape_cast %get3A_508 : vector<1x16xf32> to vector<16xf32>
        %add3A_510 = arith.addf %add3A_503, %get3A_509 : vector<16xf32>
        %add3A_511 = arith.constant 4 : i32
        %add3A_512 = arith.addi %mul3A_195, %add3A_511 : i32
        %get3A_513 = arith.index_cast %add3A_512 : i32 to index
        %get3A_514 = arith.constant 64 : index
        %get3A_515 = tpu.vector_load %arg10[%get3A_513, %get3A_514] {strides = array<i32>} : memref<288x128xf32, #tpu.memory_space<vmem>>, vector<1x16xf32>,
        %get3A_516 = vector.shape_cast %get3A_515 : vector<1x16xf32> to vector<16xf32>
        %add3A_517 = arith.addf %add3A_510, %get3A_516 : vector<16xf32>
        %add3A_518 = arith.constant 5 : i32
        %add3A_519 = arith.addi %mul3A_195, %add3A_518 : i32
        %get3A_520 = arith.index_cast %add3A_519 : i32 to index
        %get3A_521 = arith.constant 64 : index
        %get3A_522 = tpu.vector_load %arg10[%get3A_520, %get3A_521] {strides = array<i32>} : memref<288x128xf32, #tpu.memory_space<vmem>>, vector<1x16xf32>,
        %get3A_523 = vector.shape_cast %get3A_522 : vector<1x16xf32> to vector<16xf32>
        %add3A_524 = arith.addf %add3A_517, %get3A_523 : vector<16xf32>
        %add3A_525 = arith.constant 6 : i32
        %add3A_526 = arith.addi %mul3A_195, %add3A_525 : i32
        %get3A_527 = arith.index_cast %add3A_526 : i32 to index
        %get3A_528 = arith.constant 64 : index
        %get3A_529 = tpu.vector_load %arg10[%get3A_527, %get3A_528] {strides = array<i32>} : memref<288x128xf32, #tpu.memory_space<vmem>>, vector<1x16xf32>,
        %get3A_530 = vector.shape_cast %get3A_529 : vector<1x16xf32> to vector<16xf32>
        %add3A_531 = arith.addf %add3A_524, %get3A_530 : vector<16xf32>
        %add3A_532 = arith.constant 7 : i32
        %add3A_533 = arith.addi %mul3A_195, %add3A_532 : i32
        %get3A_534 = arith.index_cast %add3A_533 : i32 to index
        %get3A_535 = arith.constant 64 : index
        %get3A_536 = tpu.vector_load %arg10[%get3A_534, %get3A_535] {strides = array<i32>} : memref<288x128xf32, #tpu.memory_space<vmem>>, vector<1x16xf32>,
        %get3A_537 = vector.shape_cast %get3A_536 : vector<1x16xf32> to vector<16xf32>
        %add3A_538 = arith.addf %add3A_531, %get3A_537 : vector<16xf32>
        %add3A_539 = arith.constant 8 : i32
        %add3A_540 = arith.addi %mul3A_195, %add3A_539 : i32
        %get3A_541 = arith.index_cast %add3A_540 : i32 to index
        %get3A_542 = arith.constant 64 : index
        %get3A_543 = tpu.vector_load %arg10[%get3A_541, %get3A_542] {strides = array<i32>} : memref<288x128xf32, #tpu.memory_space<vmem>>, vector<1x16xf32>,
        %get3A_544 = vector.shape_cast %get3A_543 : vector<1x16xf32> to vector<16xf32>
        %add3A_545 = arith.addf %add3A_538, %get3A_544 : vector<16xf32>
        %swap3A_546 = arith.index_cast %scan3A_192 : i32 to index
        %swap3A_547 = arith.constant 64 : index
        %swap3A_548 = tpu.vector_load %arg12[%swap3A_546, %swap3A_547] {strides = array<i32>} : memref<32x128xf32, #tpu.memory_space<vmem>>, vector<1x16xf32>,
        %swap3A_549 = vector.shape_cast %swap3A_548 : vector<1x16xf32> to vector<16xf32>
        %swap3A_550 = vector.shape_cast %add3A_545 : vector<16xf32> to vector<1x16xf32>
        tpu.vector_store %arg12[%swap3A_546, %swap3A_547], %swap3A_550 {strides = array<i32>} : memref<32x128xf32, #tpu.memory_space<vmem>>, vector<1x16xf32>,
        %get3A_551 = arith.constant 80 : index
        %get3A_552 = tpu.vector_load %arg13[%get3A_551] {strides = array<i32>} : memref<128xf32, #tpu.memory_space<vmem>>, vector<16xf32>,
        %get3A_553 = vector.shape_cast %get3A_552 : vector<16xf32> to vector<16xf32>
        %add3A_554 = arith.constant 0 : i32
        %add3A_555 = arith.addi %mul3A_195, %add3A_554 : i32
        %get3A_556 = arith.index_cast %add3A_555 : i32 to index
        %get3A_557 = arith.constant 80 : index
        %get3A_558 = tpu.vector_load %arg10[%get3A_556, %get3A_557] {strides = array<i32>} : memref<288x128xf32, #tpu.memory_space<vmem>>, vector<1x16xf32>,
        %get3A_559 = vector.shape_cast %get3A_558 : vector<1x16xf32> to vector<16xf32>
        %add3A_560 = arith.addf %get3A_553, %get3A_559 : vector<16xf32>
        %add3A_561 = arith.constant 1 : i32
        %add3A_562 = arith.addi %mul3A_195, %add3A_561 : i32
        %get3A_563 = arith.index_cast %add3A_562 : i32 to index
        %get3A_564 = arith.constant 80 : index
        %get3A_565 = tpu.vector_load %arg10[%get3A_563, %get3A_564] {strides = array<i32>} : memref<288x128xf32, #tpu.memory_space<vmem>>, vector<1x16xf32>,
        %get3A_566 = vector.shape_cast %get3A_565 : vector<1x16xf32> to vector<16xf32>
        %add3A_567 = arith.addf %add3A_560, %get3A_566 : vector<16xf32>
        %add3A_568 = arith.constant 2 : i32
        %add3A_569 = arith.addi %mul3A_195, %add3A_568 : i32
        %get3A_570 = arith.index_cast %add3A_569 : i32 to index
        %get3A_571 = arith.constant 80 : index
        %get3A_572 = tpu.vector_load %arg10[%get3A_570, %get3A_571] {strides = array<i32>} : memref<288x128xf32, #tpu.memory_space<vmem>>, vector<1x16xf32>,
        %get3A_573 = vector.shape_cast %get3A_572 : vector<1x16xf32> to vector<16xf32>
        %add3A_574 = arith.addf %add3A_567, %get3A_573 : vector<16xf32>
        %add3A_575 = arith.constant 3 : i32
        %add3A_576 = arith.addi %mul3A_195, %add3A_575 : i32
        %get3A_577 = arith.index_cast %add3A_576 : i32 to index
        %get3A_578 = arith.constant 80 : index
        %get3A_579 = tpu.vector_load %arg10[%get3A_577, %get3A_578] {strides = array<i32>} : memref<288x128xf32, #tpu.memory_space<vmem>>, vector<1x16xf32>,
        %get3A_580 = vector.shape_cast %get3A_579 : vector<1x16xf32> to vector<16xf32>
        %add3A_581 = arith.addf %add3A_574, %get3A_580 : vector<16xf32>
        %add3A_582 = arith.constant 4 : i32
        %add3A_583 = arith.addi %mul3A_195, %add3A_582 : i32
        %get3A_584 = arith.index_cast %add3A_583 : i32 to index
        %get3A_585 = arith.constant 80 : index
        %get3A_586 = tpu.vector_load %arg10[%get3A_584, %get3A_585] {strides = array<i32>} : memref<288x128xf32, #tpu.memory_space<vmem>>, vector<1x16xf32>,
        %get3A_587 = vector.shape_cast %get3A_586 : vector<1x16xf32> to vector<16xf32>
        %add3A_588 = arith.addf %add3A_581, %get3A_587 : vector<16xf32>
        %add3A_589 = arith.constant 5 : i32
        %add3A_590 = arith.addi %mul3A_195, %add3A_589 : i32
        %get3A_591 = arith.index_cast %add3A_590 : i32 to index
        %get3A_592 = arith.constant 80 : index
        %get3A_593 = tpu.vector_load %arg10[%get3A_591, %get3A_592] {strides = array<i32>} : memref<288x128xf32, #tpu.memory_space<vmem>>, vector<1x16xf32>,
        %get3A_594 = vector.shape_cast %get3A_593 : vector<1x16xf32> to vector<16xf32>
        %add3A_595 = arith.addf %add3A_588, %get3A_594 : vector<16xf32>
        %add3A_596 = arith.constant 6 : i32
        %add3A_597 = arith.addi %mul3A_195, %add3A_596 : i32
        %get3A_598 = arith.index_cast %add3A_597 : i32 to index
        %get3A_599 = arith.constant 80 : index
        %get3A_600 = tpu.vector_load %arg10[%get3A_598, %get3A_599] {strides = array<i32>} : memref<288x128xf32, #tpu.memory_space<vmem>>, vector<1x16xf32>,
        %get3A_601 = vector.shape_cast %get3A_600 : vector<1x16xf32> to vector<16xf32>
        %add3A_602 = arith.addf %add3A_595, %get3A_601 : vector<16xf32>
        %add3A_603 = arith.constant 7 : i32
        %add3A_604 = arith.addi %mul3A_195, %add3A_603 : i32
        %get3A_605 = arith.index_cast %add3A_604 : i32 to index
        %get3A_606 = arith.constant 80 : index
        %get3A_607 = tpu.vector_load %arg10[%get3A_605, %get3A_606] {strides = array<i32>} : memref<288x128xf32, #tpu.memory_space<vmem>>, vector<1x16xf32>,
        %get3A_608 = vector.shape_cast %get3A_607 : vector<1x16xf32> to vector<16xf32>
        %add3A_609 = arith.addf %add3A_602, %get3A_608 : vector<16xf32>
        %add3A_610 = arith.constant 8 : i32
        %add3A_611 = arith.addi %mul3A_195, %add3A_610 : i32
        %get3A_612 = arith.index_cast %add3A_611 : i32 to index
        %get3A_613 = arith.constant 80 : index
        %get3A_614 = tpu.vector_load %arg10[%get3A_612, %get3A_613] {strides = array<i32>} : memref<288x128xf32, #tpu.memory_space<vmem>>, vector<1x16xf32>,
        %get3A_615 = vector.shape_cast %get3A_614 : vector<1x16xf32> to vector<16xf32>
        %add3A_616 = arith.addf %add3A_609, %get3A_615 : vector<16xf32>
        %swap3A_617 = arith.index_cast %scan3A_192 : i32 to index
        %swap3A_618 = arith.constant 80 : index
        %swap3A_619 = tpu.vector_load %arg12[%swap3A_617, %swap3A_618] {strides = array<i32>} : memref<32x128xf32, #tpu.memory_space<vmem>>, vector<1x16xf32>,
        %swap3A_620 = vector.shape_cast %swap3A_619 : vector<1x16xf32> to vector<16xf32>
        %swap3A_621 = vector.shape_cast %add3A_616 : vector<16xf32> to vector<1x16xf32>
        tpu.vector_store %arg12[%swap3A_617, %swap3A_618], %swap3A_621 {strides = array<i32>} : memref<32x128xf32, #tpu.memory_space<vmem>>, vector<1x16xf32>,
        %get3A_622 = arith.constant 96 : index
        %get3A_623 = tpu.vector_load %arg13[%get3A_622] {strides = array<i32>} : memref<128xf32, #tpu.memory_space<vmem>>, vector<16xf32>,
        %get3A_624 = vector.shape_cast %get3A_623 : vector<16xf32> to vector<16xf32>
        %add3A_625 = arith.constant 0 : i32
        %add3A_626 = arith.addi %mul3A_195, %add3A_625 : i32
        %get3A_627 = arith.index_cast %add3A_626 : i32 to index
        %get3A_628 = arith.constant 96 : index
        %get3A_629 = tpu.vector_load %arg10[%get3A_627, %get3A_628] {strides = array<i32>} : memref<288x128xf32, #tpu.memory_space<vmem>>, vector<1x16xf32>,
        %get3A_630 = vector.shape_cast %get3A_629 : vector<1x16xf32> to vector<16xf32>
        %add3A_631 = arith.addf %get3A_624, %get3A_630 : vector<16xf32>
        %add3A_632 = arith.constant 1 : i32
        %add3A_633 = arith.addi %mul3A_195, %add3A_632 : i32
        %get3A_634 = arith.index_cast %add3A_633 : i32 to index
        %get3A_635 = arith.constant 96 : index
        %get3A_636 = tpu.vector_load %arg10[%get3A_634, %get3A_635] {strides = array<i32>} : memref<288x128xf32, #tpu.memory_space<vmem>>, vector<1x16xf32>,
        %get3A_637 = vector.shape_cast %get3A_636 : vector<1x16xf32> to vector<16xf32>
        %add3A_638 = arith.addf %add3A_631, %get3A_637 : vector<16xf32>
        %add3A_639 = arith.constant 2 : i32
        %add3A_640 = arith.addi %mul3A_195, %add3A_639 : i32
        %get3A_641 = arith.index_cast %add3A_640 : i32 to index
        %get3A_642 = arith.constant 96 : index
        %get3A_643 = tpu.vector_load %arg10[%get3A_641, %get3A_642] {strides = array<i32>} : memref<288x128xf32, #tpu.memory_space<vmem>>, vector<1x16xf32>,
        %get3A_644 = vector.shape_cast %get3A_643 : vector<1x16xf32> to vector<16xf32>
        %add3A_645 = arith.addf %add3A_638, %get3A_644 : vector<16xf32>
        %add3A_646 = arith.constant 3 : i32
        %add3A_647 = arith.addi %mul3A_195, %add3A_646 : i32
        %get3A_648 = arith.index_cast %add3A_647 : i32 to index
        %get3A_649 = arith.constant 96 : index
        %get3A_650 = tpu.vector_load %arg10[%get3A_648, %get3A_649] {strides = array<i32>} : memref<288x128xf32, #tpu.memory_space<vmem>>, vector<1x16xf32>,
        %get3A_651 = vector.shape_cast %get3A_650 : vector<1x16xf32> to vector<16xf32>
        %add3A_652 = arith.addf %add3A_645, %get3A_651 : vector<16xf32>
        %add3A_653 = arith.constant 4 : i32
        %add3A_654 = arith.addi %mul3A_195, %add3A_653 : i32
        %get3A_655 = arith.index_cast %add3A_654 : i32 to index
        %get3A_656 = arith.constant 96 : index
        %get3A_657 = tpu.vector_load %arg10[%get3A_655, %get3A_656] {strides = array<i32>} : memref<288x128xf32, #tpu.memory_space<vmem>>, vector<1x16xf32>,
        %get3A_658 = vector.shape_cast %get3A_657 : vector<1x16xf32> to vector<16xf32>
        %add3A_659 = arith.addf %add3A_652, %get3A_658 : vector<16xf32>
        %add3A_660 = arith.constant 5 : i32
        %add3A_661 = arith.addi %mul3A_195, %add3A_660 : i32
        %get3A_662 = arith.index_cast %add3A_661 : i32 to index
        %get3A_663 = arith.constant 96 : index
        %get3A_664 = tpu.vector_load %arg10[%get3A_662, %get3A_663] {strides = array<i32>} : memref<288x128xf32, #tpu.memory_space<vmem>>, vector<1x16xf32>,
        %get3A_665 = vector.shape_cast %get3A_664 : vector<1x16xf32> to vector<16xf32>
        %add3A_666 = arith.addf %add3A_659, %get3A_665 : vector<16xf32>
        %add3A_667 = arith.constant 6 : i32
        %add3A_668 = arith.addi %mul3A_195, %add3A_667 : i32
        %get3A_669 = arith.index_cast %add3A_668 : i32 to index
        %get3A_670 = arith.constant 96 : index
        %get3A_671 = tpu.vector_load %arg10[%get3A_669, %get3A_670] {strides = array<i32>} : memref<288x128xf32, #tpu.memory_space<vmem>>, vector<1x16xf32>,
        %get3A_672 = vector.shape_cast %get3A_671 : vector<1x16xf32> to vector<16xf32>
        %add3A_673 = arith.addf %add3A_666, %get3A_672 : vector<16xf32>
        %add3A_674 = arith.constant 7 : i32
        %add3A_675 = arith.addi %mul3A_195, %add3A_674 : i32
        %get3A_676 = arith.index_cast %add3A_675 : i32 to index
        %get3A_677 = arith.constant 96 : index
        %get3A_678 = tpu.vector_load %arg10[%get3A_676, %get3A_677] {strides = array<i32>} : memref<288x128xf32, #tpu.memory_space<vmem>>, vector<1x16xf32>,
        %get3A_679 = vector.shape_cast %get3A_678 : vector<1x16xf32> to vector<16xf32>
        %add3A_680 = arith.addf %add3A_673, %get3A_679 : vector<16xf32>
        %add3A_681 = arith.constant 8 : i32
        %add3A_682 = arith.addi %mul3A_195, %add3A_681 : i32
        %get3A_683 = arith.index_cast %add3A_682 : i32 to index
        %get3A_684 = arith.constant 96 : index
        %get3A_685 = tpu.vector_load %arg10[%get3A_683, %get3A_684] {strides = array<i32>} : memref<288x128xf32, #tpu.memory_space<vmem>>, vector<1x16xf32>,
        %get3A_686 = vector.shape_cast %get3A_685 : vector<1x16xf32> to vector<16xf32>
        %add3A_687 = arith.addf %add3A_680, %get3A_686 : vector<16xf32>
        %swap3A_688 = arith.index_cast %scan3A_192 : i32 to index
        %swap3A_689 = arith.constant 96 : index
        %swap3A_690 = tpu.vector_load %arg12[%swap3A_688, %swap3A_689] {strides = array<i32>} : memref<32x128xf32, #tpu.memory_space<vmem>>, vector<1x16xf32>,
        %swap3A_691 = vector.shape_cast %swap3A_690 : vector<1x16xf32> to vector<16xf32>
        %swap3A_692 = vector.shape_cast %add3A_687 : vector<16xf32> to vector<1x16xf32>
        tpu.vector_store %arg12[%swap3A_688, %swap3A_689], %swap3A_692 {strides = array<i32>} : memref<32x128xf32, #tpu.memory_space<vmem>>, vector<1x16xf32>,
        %get3A_693 = arith.constant 112 : index
        %get3A_694 = tpu.vector_load %arg13[%get3A_693] {strides = array<i32>} : memref<128xf32, #tpu.memory_space<vmem>>, vector<16xf32>,
        %get3A_695 = vector.shape_cast %get3A_694 : vector<16xf32> to vector<16xf32>
        %add3A_696 = arith.constant 0 : i32
        %add3A_697 = arith.addi %mul3A_195, %add3A_696 : i32
        %get3A_698 = arith.index_cast %add3A_697 : i32 to index
        %get3A_699 = arith.constant 112 : index
        %get3A_700 = tpu.vector_load %arg10[%get3A_698, %get3A_699] {strides = array<i32>} : memref<288x128xf32, #tpu.memory_space<vmem>>, vector<1x16xf32>,
        %get3A_701 = vector.shape_cast %get3A_700 : vector<1x16xf32> to vector<16xf32>
        %add3A_702 = arith.addf %get3A_695, %get3A_701 : vector<16xf32>
        %add3A_703 = arith.constant 1 : i32
        %add3A_704 = arith.addi %mul3A_195, %add3A_703 : i32
        %get3A_705 = arith.index_cast %add3A_704 : i32 to index
        %get3A_706 = arith.constant 112 : index
        %get3A_707 = tpu.vector_load %arg10[%get3A_705, %get3A_706] {strides = array<i32>} : memref<288x128xf32, #tpu.memory_space<vmem>>, vector<1x16xf32>,
        %get3A_708 = vector.shape_cast %get3A_707 : vector<1x16xf32> to vector<16xf32>
        %add3A_709 = arith.addf %add3A_702, %get3A_708 : vector<16xf32>
        %add3A_710 = arith.constant 2 : i32
        %add3A_711 = arith.addi %mul3A_195, %add3A_710 : i32
        %get3A_712 = arith.index_cast %add3A_711 : i32 to index
        %get3A_713 = arith.constant 112 : index
        %get3A_714 = tpu.vector_load %arg10[%get3A_712, %get3A_713] {strides = array<i32>} : memref<288x128xf32, #tpu.memory_space<vmem>>, vector<1x16xf32>,
        %get3A_715 = vector.shape_cast %get3A_714 : vector<1x16xf32> to vector<16xf32>
        %add3A_716 = arith.addf %add3A_709, %get3A_715 : vector<16xf32>
        %add3A_717 = arith.constant 3 : i32
        %add3A_718 = arith.addi %mul3A_195, %add3A_717 : i32
        %get3A_719 = arith.index_cast %add3A_718 : i32 to index
        %get3A_720 = arith.constant 112 : index
        %get3A_721 = tpu.vector_load %arg10[%get3A_719, %get3A_720] {strides = array<i32>} : memref<288x128xf32, #tpu.memory_space<vmem>>, vector<1x16xf32>,
        %get3A_722 = vector.shape_cast %get3A_721 : vector<1x16xf32> to vector<16xf32>
        %add3A_723 = arith.addf %add3A_716, %get3A_722 : vector<16xf32>
        %add3A_724 = arith.constant 4 : i32
        %add3A_725 = arith.addi %mul3A_195, %add3A_724 : i32
        %get3A_726 = arith.index_cast %add3A_725 : i32 to index
        %get3A_727 = arith.constant 112 : index
        %get3A_728 = tpu.vector_load %arg10[%get3A_726, %get3A_727] {strides = array<i32>} : memref<288x128xf32, #tpu.memory_space<vmem>>, vector<1x16xf32>,
        %get3A_729 = vector.shape_cast %get3A_728 : vector<1x16xf32> to vector<16xf32>
        %add3A_730 = arith.addf %add3A_723, %get3A_729 : vector<16xf32>
        %add3A_731 = arith.constant 5 : i32
        %add3A_732 = arith.addi %mul3A_195, %add3A_731 : i32
        %get3A_733 = arith.index_cast %add3A_732 : i32 to index
        %get3A_734 = arith.constant 112 : index
        %get3A_735 = tpu.vector_load %arg10[%get3A_733, %get3A_734] {strides = array<i32>} : memref<288x128xf32, #tpu.memory_space<vmem>>, vector<1x16xf32>,
        %get3A_736 = vector.shape_cast %get3A_735 : vector<1x16xf32> to vector<16xf32>
        %add3A_737 = arith.addf %add3A_730, %get3A_736 : vector<16xf32>
        %add3A_738 = arith.constant 6 : i32
        %add3A_739 = arith.addi %mul3A_195, %add3A_738 : i32
        %get3A_740 = arith.index_cast %add3A_739 : i32 to index
        %get3A_741 = arith.constant 112 : index
        %get3A_742 = tpu.vector_load %arg10[%get3A_740, %get3A_741] {strides = array<i32>} : memref<288x128xf32, #tpu.memory_space<vmem>>, vector<1x16xf32>,
        %get3A_743 = vector.shape_cast %get3A_742 : vector<1x16xf32> to vector<16xf32>
        %add3A_744 = arith.addf %add3A_737, %get3A_743 : vector<16xf32>
        %add3A_745 = arith.constant 7 : i32
        %add3A_746 = arith.addi %mul3A_195, %add3A_745 : i32
        %get3A_747 = arith.index_cast %add3A_746 : i32 to index
        %get3A_748 = arith.constant 112 : index
        %get3A_749 = tpu.vector_load %arg10[%get3A_747, %get3A_748] {strides = array<i32>} : memref<288x128xf32, #tpu.memory_space<vmem>>, vector<1x16xf32>,
        %get3A_750 = vector.shape_cast %get3A_749 : vector<1x16xf32> to vector<16xf32>
        %add3A_751 = arith.addf %add3A_744, %get3A_750 : vector<16xf32>
        %add3A_752 = arith.constant 8 : i32
        %add3A_753 = arith.addi %mul3A_195, %add3A_752 : i32
        %get3A_754 = arith.index_cast %add3A_753 : i32 to index
        %get3A_755 = arith.constant 112 : index
        %get3A_756 = tpu.vector_load %arg10[%get3A_754, %get3A_755] {strides = array<i32>} : memref<288x128xf32, #tpu.memory_space<vmem>>, vector<1x16xf32>,
        %get3A_757 = vector.shape_cast %get3A_756 : vector<1x16xf32> to vector<16xf32>
        %add3A_758 = arith.addf %add3A_751, %get3A_757 : vector<16xf32>
        %swap3A_759 = arith.index_cast %scan3A_192 : i32 to index
        %swap3A_760 = arith.constant 112 : index
        %swap3A_761 = tpu.vector_load %arg12[%swap3A_759, %swap3A_760] {strides = array<i32>} : memref<32x128xf32, #tpu.memory_space<vmem>>, vector<1x16xf32>,
        %swap3A_762 = vector.shape_cast %swap3A_761 : vector<1x16xf32> to vector<16xf32>
        %swap3A_763 = vector.shape_cast %add3A_758 : vector<16xf32> to vector<1x16xf32>
        tpu.vector_store %arg12[%swap3A_759, %swap3A_760], %swap3A_763 {strides = array<i32>} : memref<32x128xf32, #tpu.memory_space<vmem>>, vector<1x16xf32>,
        %scan3A_764 = arith.constant 0 : i32
        scf.yield %scan3A_764 : i32
      }
      %scan3A_176 = arith.constant 32 : i32
      %mul3A_177 = arith.constant 32 : i32
      %mul3A_178 = arith.muli %add3A_158, %mul3A_177 : i32
      %add3A_179 = arith.addi %mul3A_2, %mul3A_178 : i32
      %dma_start3A_180 = arith.constant 0 : i32
      %dma_start3A_181 = tpu.memref_slice %arg6[%add3A_179, %dma_start3A_180] : memref<51200x128xf32, #tpu.memory_space<hbm>> -> memref<32x128xf32, #tpu.memory_space<hbm>>
      %dma_start3A_182 = arith.constant 0 : i32
      %dma_start3A_183 = tpu.memref_slice %arg6[%add3A_179, %dma_start3A_182] : memref<51200x128xf32, #tpu.memory_space<hbm>> -> memref<32x128xf32, #tpu.memory_space<hbm>>
      tpu.enqueue_dma source(%arg12 : memref<32x128xf32, #tpu.memory_space<vmem>>) target(%dma_start3A_183 : memref<32x128xf32, #tpu.memory_space<hbm>>) target_semaphore(%arg18 : memref<!tpu.dma_semaphore, #tpu.memory_space<semaphore_mem>>)
      %add3A_184 = arith.constant 2 : i32
      %add3A_185 = arith.addi %add3A_158, %add3A_184 : i32
      %lt3A_186 = arith.constant 50 : i32
      %lt3A_187 = arith.cmpi slt, %add3A_185, %lt3A_186 : i32
      %convert_element_type3A_188 = arith.extui %lt3A_187 : i1 to i32
      %cond3A_189 = arith.constant 0 : i32
      %cond3A_190 = arith.cmpi ne, %convert_element_type3A_188, %cond3A_189 : i32
      scf.if %cond3A_190 {
        %add3A_192 = arith.constant 2 : i32
        %add3A_193 = arith.addi %add3A_158, %add3A_192 : i32
        %mul3A_194 = arith.constant 288 : i32
        %mul3A_195 = arith.muli %add3A_193, %mul3A_194 : i32
        %dma_start3A_196 = tpu.memref_slice %arg8[%mul3A_195] : memref<14400xi32, #tpu.memory_space<vmem>> -> memref<288xi32, #tpu.memory_space<vmem>>
        %dma_start3A_197 = arith.constant 0 : i32
        %dma_start3A_198 = arith.constant 0 : i32
        %dma_start3A_199 = tpu.memref_slice %arg4[%dma_start3A_197, %dma_start3A_198] : memref<450000x128xf32, #tpu.memory_space<hbm>> -> memref<450000x128xf32, #tpu.memory_space<hbm>>
        tpu.enqueue_indirect_dma source(%dma_start3A_199 : memref<450000x128xf32, #tpu.memory_space<hbm>>) target(%arg10 : memref<288x128xf32, #tpu.memory_space<vmem>>) offsets(%dma_start3A_196 : memref<288xi32, #tpu.memory_space<vmem>>) semaphore(%arg16 : memref<!tpu.dma_semaphore, #tpu.memory_space<semaphore_mem>>)
      } else {
      }
      %scan3A_191 = arith.constant 0 : i32
      scf.yield %scan3A_191 : i32
    }
    %scan3A_115 = arith.constant 25 : i32
    %dma_wait3A = arith.constant 0 : i32
    %dma_wait3A_116 = tpu.memref_slice %arg6[%mul3A_2, %dma_wait3A] : memref<51200x128xf32, #tpu.memory_space<hbm>> -> memref<32x128xf32, #tpu.memory_space<hbm>>
    %dma_wait3A_117 = arith.constant 0 : i32
    %dma_wait3A_118 = tpu.memref_slice %arg6[%mul3A_2, %dma_wait3A_117] : memref<51200x128xf32, #tpu.memory_space<hbm>> -> memref<32x128xf32, #tpu.memory_space<hbm>>
    tpu.wait_dma2 semaphore(%arg17 : memref<!tpu.dma_semaphore, #tpu.memory_space<semaphore_mem>>) src(%arg11 : memref<32x128xf32, #tpu.memory_space<vmem>>) dst(%dma_wait3A_118 : memref<32x128xf32, #tpu.memory_space<hbm>>)
    %dma_wait3A_119 = arith.constant 0 : i32
    %dma_wait3A_120 = tpu.memref_slice %arg6[%mul3A_2, %dma_wait3A_119] : memref<51200x128xf32, #tpu.memory_space<hbm>> -> memref<32x128xf32, #tpu.memory_space<hbm>>
    %dma_wait3A_121 = arith.constant 0 : i32
    %dma_wait3A_122 = tpu.memref_slice %arg6[%mul3A_2, %dma_wait3A_121] : memref<51200x128xf32, #tpu.memory_space<hbm>> -> memref<32x128xf32, #tpu.memory_space<hbm>>
    tpu.wait_dma2 semaphore(%arg18 : memref<!tpu.dma_semaphore, #tpu.memory_space<semaphore_mem>>) src(%arg12 : memref<32x128xf32, #tpu.memory_space<vmem>>) dst(%dma_wait3A_122 : memref<32x128xf32, #tpu.memory_space<hbm>>)
    return
  }
}

module attributes {stable_mosaic.version = 14 : i64} {
  func.func @_mm_body(%arg0: i32, %arg1: memref<2000x128xf32, #tpu.memory_space<vmem>>, %arg2: memref<128x1152xbf16, #tpu.memory_space<vmem>>, %arg3: memref<2000x1152xf32, #tpu.memory_space<vmem>>) attributes {dimension_semantics = [#tpu.dimension_semantics<arbitrary>], iteration_bounds = array<i64: 25>, scalar_prefetch = 0 : i64, scratch_operands = 0 : i64, tpu.core_type = #tpu.core_type<tc>, window_params = [{transform_indices = @transform_0, window_bounds = array<i64: 2000, 128>}, {pipeline_mode = #tpu.pipeline_mode<synchronous>, transform_indices = @transform_1, window_bounds = array<i64: 128, 1152>}, {transform_indices = @transform_2, window_bounds = array<i64: 2000, 1152>}]} {
    %get3A = arith.constant 0 : index
    %get3A_0 = arith.constant 0 : index
    %get3A_1 = vector.load %arg1[%get3A, %get3A_0] : memref<2000x128xf32, #tpu.memory_space<vmem>>, vector<2000x128xf32>
    %convert_element_type3A = arith.truncf %get3A_1 : vector<2000x128xf32> to vector<2000x128xbf16>
    %get3A_2 = arith.constant 0 : index
    %get3A_3 = arith.constant 0 : index
    %get3A_4 = vector.load %arg2[%get3A_2, %get3A_3] : memref<128x1152xbf16, #tpu.memory_space<vmem>>, vector<128x1152xbf16>
    %dot_general3A = arith.constant dense<0.000000e+00> : vector<2000x1152xf32>
    %dot_general3A_5 = tpu.matmul %convert_element_type3A, %get3A_4, %dot_general3A {dimension_numbers = #tpu.dot_dimension_numbers<[1], [0], [0], [1], [0, 0, 1, 1], [], []>, transpose_lhs_hint = false} : vector<2000x128xbf16>, vector<128x1152xbf16>, vector<2000x1152xf32> -> vector<2000x1152xf32>
    %swap3A = arith.constant 0 : index
    %swap3A_6 = arith.constant 0 : index
    %swap3A_7 = vector.load %arg3[%swap3A, %swap3A_6] : memref<2000x1152xf32, #tpu.memory_space<vmem>>, vector<2000x1152xf32>
    tpu.vector_store %arg3[%swap3A, %swap3A_6], %dot_general3A_5 {strides = array<i32>} : memref<2000x1152xf32, #tpu.memory_space<vmem>>, vector<2000x1152xf32>,
    return
  }
  func.func @transform_0(%arg0: i32) -> (i32, i32) {
    %c0_i32 = arith.constant 0 : i32
    %c0_i32_0 = arith.constant 0 : i32
    return %arg0, %c0_i32 : i32, i32
  }
  func.func @transform_1(%arg0: i32) -> (i32, i32) {
    %c0_i32 = arith.constant 0 : i32
    %c0_i32_0 = arith.constant 0 : i32
    %c0_i32_1 = arith.constant 0 : i32
    return %c0_i32, %c0_i32_0 : i32, i32
  }
  func.func @transform_2(%arg0: i32) -> (i32, i32) {
    %c0_i32 = arith.constant 0 : i32
    %c0_i32_0 = arith.constant 0 : i32
    return %arg0, %c0_i32 : i32, i32
  }
}

</mosaic_0001>

<sc_bundles>
// kernel: kernel.4.cloned.1.call-start
scs
__scs_entry_jumppad:
0x0: {  	(pc) =	sbr.rel $0x88, $3  }
0x1: {  	(tag) =	ssettag $0x0;
	lr =	simm.s32 $0x1  }
0x2: {  	[smem:$0x3F9D] =	sst lr;
	_ =	strace $0xD0000000  }
0x3: {  	_ = 	snop  }
0x4: {  	_ = 	snop  }
0x5: {  	_ = 	snop  }
0x6: {  	_ = 	snop  }
0x7: {  	_ = 	snop  }
__scs_overlays_trampoline_lowered:
0x8: {  	[smem:$0x3FAC] =	sst s0  }
0x9: {  	[smem:$0x3FAD] =	sst s1  }
0xa: {  	[smem:$0x3FAE] =	sst s2  }
0xb: {  	[smem:$0x3FAF] =	sst s3  }
0xc: {  	[smem:$0x3FB0] =	sst s4  }
0xd: {  	[smem:$0x3FB1] =	sst s5  }
0xe: {  	[smem:$0x3FB2] =	sst s6  }
0xf: {  	[smem:$0x3FB3] =	sst s7  }
0x10: {  	[smem:$0x3FB4] =	sst s8  }
0x11: {  	[smem:$0x3FB5] =	sst s9;
	s0 =	simm.s32 @!p0 $0x0  }
0x12: {  	s1 =	sld [smem:$0x3F9B];
	s0 =	simm.s32 @p0 $0x1  }
0x13: {  	[smem:$0x3FB6] =	sst s0;
	s0 =	simm.s32 @!p1 $0x0  }
0x14: {  	s2 =	sld [smem:$0x3F9A];
	s0 =	simm.s32 @p1 $0x1  }
0x15: {  	[smem:$0x3FB7] =	sst s0;
	s0 =	simm.s32 @!p2 $0x0  }
0x16: {  	s3 =	sld [smem:$0x3FDB];
	s0 =	simm.s32 @p2 $0x1  }
0x17: {  	s4 =	simm.s32 $0x1BF5;
	[smem:$0x3FB9] =	sst s0  }
0x18: {  	s0 =	sld [smem:$0x3F9C];
	_ =	swait.ge [sflag:s4], $0x0  }
0x19: {  	s7 =	sld [smem:$0x3F9D]  }
0x1a: {  	s8 =	sadd.s32 $0xFFFFE003, lr  }
0x1b: {  	s9 =	sadd.s32 $0xFFFFFEF7, lr;
	s5 =	simm.s32 $0xFFFFFFFF;
	p2 =	slt.u32 s8, $0xFFFFF086  }
0x1c: {  	p1 =	slt.u32 s9, $0xF7A;
	s5 =	simm.s32 @!p2 $0x0  }
0x1d: {  	s5 =	simm.s32 @p1 $0x1;
	p0 =	seq.s32 s7, s2  }
0x1e: {  	s7 =	smul.u32 @!p0 $0xF7A, s2;
	p2 =	seq.s32 @!p0 s5, $0x0  }
0x1f: {  	s9 =	smul.u32 $0xF7A, s1;
	s8 =	simm.s32 @!p0 $0x1BF5;
	p2 =	por !p2, p0  }
0x20: {  	[sflag:s8] =	ssyncset.s32 @!p0 $0xFFFFF086;
	s6 =	sadd.s32 @!p0 s3, s7;
	s7 =	simm.s32 @!p0 $0x108  }
0x21: {  	s3 =	sadd.s32 s3, s9;
	s6 =	sadd.s32 @!p0 $0x88, s6;
	s7 =	simm.s32 @p2 $0x1082  }
0x22: {  	[simem:s7], [sflag:s8] =	dma.local @!p0 [hbm:s6], $0xF7A  }
0x23: {  	s9 =	sor.u32 $0xD0000000, s2;
	s6 =	simm.s32 $0x108;
	_ =	swait.ge @!p0 [sflag:s8], $0x0  }
0x24: {  	s3 =	sadd.s32 $0x88, s3;
	s6 =	simm.s32 @!p1 $0x1082;
	[sflag:s4] =	ssyncset.s32 $0xFFFFF086  }
0x25: {  	[simem:s6], [sflag:s4] =	dma.local [hbm:s3], $0xF7A  }
0x26: {  	[smem:$0x3F9D] =	sst s1;
	(tag) =	ssettag s2;
	_ =	strace s9  }
0x27: {  	s1 =	sld [smem:$0x3FAD]  }
0x28: {  	s2 =	sld [smem:$0x3FAE]  }
0x29: {  	s4 =	sld [smem:$0x3FB0]  }
0x2a: {  	p0 =	seq.s32 s5, $0x0;
	s5 =	sld [smem:$0x3FB1]  }
0x2b: {  	s6 =	sld [smem:$0x3FB2]  }
0x2c: {  	s7 =	sld [smem:$0x3FB3]  }
0x2d: {  	s3 =	simm.s32 $0x108;
	s8 =	sld [smem:$0x3FB4]  }
0x2e: {  	s3 =	simm.s32 @!p0 $0x1082;
	s9 =	sld [smem:$0x3FB5]  }
0x2f: {  	lr =	sadd.s32 s0, s3;
	s0 =	sld [smem:$0x3FAC]  }
0x30: {  	s3 =	sld [smem:$0x3FAF]  }
0x31: {  	[smem:$0x3FB8] =	sst s10  }
0x32: {  	s10 =	sld [smem:$0x3FB6];
	_ =	sdelay $0x3  }
0x33: {  	p0 =	seq.s32 s10, $0x1;
	s10 =	sld [smem:$0x3FB8];
	_ =	sdelay $0x3  }
0x34: {  	[smem:$0x3FB8] =	sst s10  }
0x35: {  	s10 =	sld [smem:$0x3FB7];
	_ =	sdelay $0x3  }
0x36: {  	p1 =	seq.s32 s10, $0x1;
	s10 =	sld [smem:$0x3FB8];
	_ =	sdelay $0x3  }
0x37: {  	[smem:$0x3FB8] =	sst s10  }
0x38: {  	s10 =	sld [smem:$0x3FB9]  }
0x39: {  	_ = 	snop;
	(pc) =	sbr.ind lr, $3  }
0x3a: {  	_ = 	snop  }
0x3b: {  	_ = 	snop  }
0x3c: {  	p2 =	seq.s32 s10, $0x1;
	s10 =	sld [smem:$0x3FB8]  }
0x3d: {  	_ =	shalt  }
0x3e: {  	_ =	shalt  }
0x3f: {  	_ =	shalt  }
0x40: {  	_ =	shalt  }
0x41: {  	_ =	shalt  }
0x42: {  	_ =	shalt  }
0x43: {  	_ =	shalt  }
0x44: {  	_ =	shalt  }
0x45: {  	_ =	shalt  }
0x46: {  	_ =	shalt  }
0x47: {  	_ =	shalt  }
0x48: {  	_ =	shalt  }
0x49: {  	_ =	shalt  }
0x4a: {  	_ =	shalt  }
0x4b: {  	_ =	shalt  }
0x4c: {  	_ =	shalt  }
0x4d: {  	_ =	shalt  }
0x4e: {  	_ =	shalt  }
0x4f: {  	_ =	shalt  }
0x50: {  	_ =	shalt  }
0x51: {  	_ =	shalt  }
0x52: {  	_ =	shalt  }
0x53: {  	_ =	shalt  }
0x54: {  	_ =	shalt  }
0x55: {  	_ =	shalt  }
0x56: {  	_ =	shalt  }
0x57: {  	_ =	shalt  }
0x58: {  	_ =	shalt  }
0x59: {  	_ =	shalt  }
0x5a: {  	_ =	shalt  }
0x5b: {  	_ =	shalt  }
0x5c: {  	_ =	shalt  }
0x5d: {  	_ =	shalt  }
0x5e: {  	_ =	shalt  }
0x5f: {  	_ =	shalt  }
0x60: {  	_ =	shalt  }
0x61: {  	_ =	shalt  }
0x62: {  	_ =	shalt  }
0x63: {  	_ =	shalt  }
0x64: {  	_ =	shalt  }
0x65: {  	_ =	shalt  }
0x66: {  	_ =	shalt  }
0x67: {  	_ =	shalt  }
0x68: {  	_ =	shalt  }
0x69: {  	_ =	shalt  }
0x6a: {  	_ =	shalt  }
0x6b: {  	_ =	shalt  }
0x6c: {  	_ =	shalt  }
0x6d: {  	_ =	shalt  }
0x6e: {  	_ =	shalt  }
0x6f: {  	_ =	shalt  }
0x70: {  	_ =	shalt  }
0x71: {  	_ =	shalt  }
0x72: {  	_ =	shalt  }
0x73: {  	_ =	shalt  }
0x74: {  	_ =	shalt  }
0x75: {  	_ =	shalt  }
0x76: {  	_ =	shalt  }
0x77: {  	_ =	shalt  }
0x78: {  	_ =	shalt  }
0x79: {  	_ =	shalt  }
0x7a: {  	_ =	shalt  }
0x7b: {  	_ =	shalt  }
0x7c: {  	_ =	shalt  }
0x7d: {  	_ =	shalt  }
0x7e: {  	_ =	shalt  }
0x7f: {  	_ =	shalt  }
0x80: {  	_ =	shalt  }
0x81: {  	_ =	shalt  }
0x82: {  	_ =	shalt  }
0x83: {  	_ =	shalt  }
0x84: {  	_ =	shalt  }
0x85: {  	_ =	shalt  }
0x86: {  	_ =	shalt  }
0x87: {  	_ =	shalt  }
.Lfunc_end0:
.L_simem_size_0:
called_computation_lowered:
.L_overlay_start_0:
0x88: {  	s2 =	sld [smem:$0x3FD9]  }
0x89: {  	s3 =	sld [smem:$0x3FFE];
	_ =	sdelay $0x1  }
0x8a: {  	s1 =	srdreg.scid  }
0x8b: {  	s0 =	sand.u32 $0x1, s1  }
0x8c: {  	s17 =	sshll.u32 s0, $0xA;
	s2 =	sadd.s32 s3, s2  }
0x8d: {  	s2 =	sadd.s32 s2, s17  }
0x8e: {  	[smem:$0x3FC4] =	sst s2  }
0x8f: {  	_ = 	snop  }
0x90: {  	s2 =	sld [smem:$0x3FC6]  }
0x91: {  	s18 =	sld [smem:$0x3FD0];
	(tm) =	ssettm $0x1  }
0x92: {  	s4 =	sld [smem:$0x3FFB];
	_ =	sdelay $0x3  }
0x93: {  	_ =	strace s4  }
0x94: {  	s4 =	sld [smem:$0x3FFC];
	_ =	sdelay $0x3  }
0x95: {  	_ =	strace s4  }
0x96: {  	s4 =	sld [smem:$0x3FFD];
	_ =	sdelay $0x3  }
0x97: {  	_ =	strace s4  }
0x98: {  	_ =	strace $0x8FFFFFFF  }
0x99: {  	s19 =	sld [smem:$0x3FDB];
	_ =	sdelay $0x1  }
0x9a: {  	s5 =	simm.s32 $_scs_section_size  }
0x9b: {  	s6 =	simm.s32 $_size__tile_overlayer_lowered;
	s7 =	simm.s32 $_tile_overlayer_lowered  }
0x9c: {  	s22 =	simm.s32 $0x1BFF;
	s21 =	sshll.u32 s7, $0x1;
	s4 =	sadd.s32 s5, s19  }
0x9d: {  	s8 =	simm.s32 $0x0;
	s20 =	sshll.u32 s6, $0x1;
	s6 =	sadd.s32 s21, s4  }
0x9e: {  	[timem:s8], [sflag:s22] =	dma.local [hbm:s6], s20  }
0x9f: {  	_ =	swait.ge [sflag:s22], s20  }
0xa0: {  	s5 =	ssub.s32 $0x0, s20;
	[sflag:s22] =	ssyncset.done $0x0  }
0xa1: {  	[sflag:s22] =	ssyncadd.s32 s5;
	_ =	sdelay $0x1  }
0xa2: {  	s23 =	simm.s32 $0x1B8B  }
0xa3: {  	_ =	swait.ge [sflag:s23], $0x1  }
0xa4: {  	[sflag:s23] =	ssyncset.done $0x0  }
0xa5: {  	s25 =	simm.s32 $0x1B8E;
	s24 =	sld [smem:$0x3FFE];
	[sflag:s23] =	ssyncadd.s32 $0xFFFFFFFF  }
0xa6: {  	s26 =	simm.s32 $execute0_lowered;
	[smem:$0x3FD2] =	sst s25  }
0xa7: {  	s6 =	sshll.u32 s26, $0x1;
	_ =	strace $0x80000046;
	[dreg:$0x1] =	wrdreg $0xFFFFFFFF  }
0xa8: {  	s28 =	simm.s32 $_size_execute0_lowered;
	s4 =	sadd.s32 s4, s6;
	[dreg:$0x0] =	wrdreg $0x0  }
0xa9: {  	s6 =	sshll.u32 s28, $0x1;
	[dreg:$0x2] =	wrdreg s4  }
0xaa: {  	[dreg:$0x3] =	wrdreg s6  }
0xab: {  	[dreg:$0x4] =	wrdreg $0xC0  }
0xac: {  	_ =	task [dreg:s8], $0x5FFFF  }
0xad: {  	[dreg:$0x1] =	wrdreg $0xFFFFFFFF  }
0xae: {  	[dreg:$0x0] =	wrdreg $0x60  }
0xaf: {  	[dreg:$0x2] =	wrdreg s18  }
0xb0: {  	[dreg:$0x3] =	wrdreg s24  }
0xb1: {  	[dreg:$0x4] =	wrdreg s2  }
0xb2: {  	[dreg:$0x5] =	wrdreg $0x9  }
0xb3: {  	_ =	task.clear_ibuf [dreg:s8], $0x6FFFF;
	_ =	strace $0x90000046  }
0xb4: {  	s29 =	simm.s32 $0x9;
	_ =	strace $0x80000048  }
0xb5: {  	_ =	swait.ge [sflag:s29], $0x1  }
0xb6: {  	[sflag:s29] =	ssyncadd.s32 $0xFFFFFFFF  }
0xb7: {  	_ =	strace $0x90000048  }
0xb8: {  	_ =	sfence  }
0xb9: {  	s30 =	sld [smem:$0x0];
	_ =	sdelay $0x2  }
0xba: {  	s31 =	sshll.u32 s1, $0xD;
	s1 =	sshrl.u32 s1, $0x2  }
0xbb: {  	s3 =	sand.u32 $0x4000, s31;
	s1 =	sadd.s32 s1, s30  }
0xbc: {  	s0 =	sor.u32 s3, s0;
	s1 =	sshll.u32 s1, $0x11  }
0xbd: {  	s0 =	sor.u32 s1, s0  }
0xbe: {  	s0 =	sadd.s32 $0x8F2B, s0  }
0xbf: {  	[sflag:s0] =	ssyncadd.remote.s32 $0x1  }
0xc0: {  	_ =	sfence.sel $0xFFFF  }
0xc1: {  	[dreg:$0x0] =	wrdreg $0xFFFFFFFF;
	(pc) =	sbr.abs _section_cstart, $3  }
0xc2: {  	[dreg:$0x1] =	wrdreg $0xFFFFFFFF  }
0xc3: {  	_ =	task.clear_ibuf [dreg:s8], $0x2FFFF;
	_ =	strace $0x9FFFFFFF  }
0xc4: {  	(tm) =	ssettm $0x7FFFFFFF  }
0xc5: {  	_ =	shalt  }
tec
execute0_lowered:
.L_overlay_start_1:
0x0: {  	(tag) =	ssettag $0x1  }
0x1: {  	s7 =	rddreg [dreg:$0x0]  }
0x2: {  	s6 =	rddreg [dreg:$0x1]  }
0x3: {  	s2 =	rddreg [dreg:$0x2];
	s4 =	srdreg.scid  }
0x4: {  	s1 =	stileid.u32;
	s3 =	simm.s32 $0x0;
	s13 =	simm.s32 $0x1B180  }
0x5: {  	s14 =	simm.s32 $0x120;
	s15 =	simm.s32 $0x3880;
	s16 =	simm.s32 $0x7100  }
0x6: {  	s17 =	simm.s32 $0x39A0;
	s18 =	simm.s32 $0x10100;
	s19 =	simm.s32 $0x1  }
0x7: {  	s20 =	simm.s32 $0x19100;
	s21 =	simm.s32 $0x2;
	s22 =	simm.s32 $0x4  }
0x8: {  	s23 =	simm.s32 $0x1A100;
	s5 =	sand.u32 $0x1, s4;
	s31 =	sshll.u32 s1, $0x1  }
0x9: {  	s24 =	simm.s32 $0x3;
	s25 =	simm.s32 $0x0;
	s8 =	sor.u32 s5, s31  }
0xa: {  	[smem:$0x7FF] =	sst s3;
	s4 =	sadd.s32 $0x600, s6;
	s9 =	smul.u32 $0x708, s8  }
.Ltmp0:
0xb: {  	_ =	strace $0x80000047;
	s10 =	ssub.s32 $0x2, s5;
	(pc) =	sbr.rel .LBB2_1-.Ltmp0, $4  }
0xc: {  	s5 =	sadd.s32 $0x6DE600, s6;
	s11 =	smul.u32 $0x6400, s8;
	s12 =	sshrl.u32 s10, $0x1  }
0xd: {  	s6 =	sadd.s32 $0x800, s6;
	s8 =	smul.u32 $0x32000, s8;
	s10 =	ssub.s32 s10, s12  }
0xe: {  	s12 =	simm.s32 $0x5;
	s7 =	sadd.s32 s7, s9;
	s11 =	sadd.s32 s11, s6  }
0xf: {  	s9 =	smax.u32 s10, $0x1;
	s10 =	sadd.s32 $0x200, s11;
	s11 =	simm.s32 $0x1B100  }
.LBB2_14:
0x10: {  	s25 =	sadd.s32 $0x1, s25  }
0x11: {  	_ =	swait.ge [sflag:s24], $0x1000;
	p0 =	sne.s32 s25, s9  }
.Ltmp1:
0x12: {  	[sflag:s24] =	ssyncset.done $0x0;
	(pc) =	sbr.rel @!p0 .LBB2_15-.Ltmp1, $4  }
0x13: {  	[sflag:s24] =	ssyncadd.s32 $0xFFFFF000  }
0x14: {  	_ =	swait.ge [sflag:s22], $0x1000  }
0x15: {  	[sflag:s22] =	ssyncset.done $0x0  }
0x16: {  	[sflag:s22] =	ssyncadd.s32 $0xFFFFF000  }
.LBB2_1:
0x17: {  	[tilespmem:s11], [sflag:$0x5] =	stream.linear.gather [hbm4b:s2+s3], $0x80, $0x38;
	[tilespmem:$0x1B280] =	vst v63  }
0x18: {  	_ =	swait.ge [sflag:s12], $0x80  }
0x19: {  	[sflag:s12] =	ssyncset.done $0x0  }
0x1a: {  	s26 =	simm.s32 $0x0;
	[sflag:s12] =	ssyncadd.s32 $0xFFFFFF80  }
0x1b: {  	[tilespmem:s13], [sflag:$0x5] =	stream.linear.gather [hbm4b:s4+s3], $0x100, $0x38;
	[tilespmem:$0x1B280] =	vst v63  }
0x1c: {  	s28 =	smul.u32 $0xE38F, s26;
	_ =	swait.ge [sflag:s12], $0x100  }
0x1d: {  	[sflag:s12] =	ssyncset.done $0x0  }
0x1e: {  	s28 =	sshrl.u32 s28, $0x13;
	[sflag:s12] =	ssyncadd.s32 $0xFFFFFF00  }
0x1f: {  	[tilespmem:s3], [sflag:$0x5] =	stream.linear.gather [hbm4b:s7+s3], $0x3840, $0x38;
	[tilespmem:$0x1B280] =	vst v63  }
0x20: {  	s29 =	smul.u32 $0x9, s28;
	_ =	swait.ge [sflag:s12], $0x3840  }
0x21: {  	[sflag:s12] =	ssyncset.done $0x0  }
0x22: {  	s28 =	simm.s32 $0x40;
	s29 =	ssub.s32 $0x0, s29;
	[sflag:s12] =	ssyncadd.s32 $0xFFFFC7C0  }
0x23: {  	s29 =	sand.u32 $0xFFFF, s29;
	v0 =	vld [tilespmem:s28+$0xFFFFFFC0]  }
0x24: {  	s30 =	sor.u32 $0x1, s26;
	s29 =	sshll.u32 s29, $0x4  }
0x25: {  	v1 =	vld [tilespmem:s29+$0x1B180];
	s29 =	sand.u32 $0xFFFF, s30  }
0x26: {  	s29 =	smul.u32 $0xE38F, s29;
	_ =	sdelay $0x1  }
0x27: {  	s29 =	sshrl.u32 s29, $0x13;
	v0 =	vmul.u32 $0x9, v0  }
0x28: {  	s31 =	smul.u32 $0x9, s29  }
0x29: {  	s29 =	simm.s32 $0x38C0;
	v0 =	vadd.s32 v1, v0  }
0x2a: {  	s30 =	ssub.s32 s30, s31;
	[tilespmem:s29+$0xFFFFFFC0] =	vst v0  }
0x2b: {  	s30 =	sand.u32 $0xFFFF, s30;
	v0 =	vld [tilespmem:s28+$0xFFFFFFD0]  }
0x2c: {  	s0 =	sor.u32 $0x2, s26;
	s30 =	sshll.u32 s30, $0x4  }
0x2d: {  	v1 =	vld [tilespmem:s30+$0x1B180];
	s30 =	sand.u32 $0xFFFF, s0  }
0x2e: {  	s30 =	smul.u32 $0xE38F, s30;
	_ =	sdelay $0x1  }
0x2f: {  	s30 =	sshrl.u32 s30, $0x13;
	v0 =	vmul.u32 $0x9, v0  }
0x30: {  	s30 =	smul.u32 $0x9, s30  }
0x31: {  	v0 =	vadd.s32 v1, v0  }
0x32: {  	s30 =	ssub.s32 s0, s30;
	[tilespmem:s29+$0xFFFFFFD0] =	vst v0  }
0x33: {  	s30 =	sand.u32 $0xFFFF, s30;
	v0 =	vld [tilespmem:s28+$0xFFFFFFE0]  }
0x34: {  	s0 =	sor.u32 $0x3, s26;
	s30 =	sshll.u32 s30, $0x4  }
0x35: {  	v1 =	vld [tilespmem:s30+$0x1B180];
	s30 =	sand.u32 $0xFFFF, s0  }
0x36: {  	s30 =	smul.u32 $0xE38F, s30;
	_ =	sdelay $0x1  }
0x37: {  	s30 =	sshrl.u32 s30, $0x13;
	v0 =	vmul.u32 $0x9, v0  }
0x38: {  	s30 =	smul.u32 $0x9, s30  }
0x39: {  	v0 =	vadd.s32 v1, v0  }
0x3a: {  	s30 =	ssub.s32 s0, s30;
	[tilespmem:s29+$0xFFFFFFE0] =	vst v0  }
0x3b: {  	s30 =	sand.u32 $0xFFFF, s30;
	v0 =	vld [tilespmem:s28+$0xFFFFFFF0]  }
0x3c: {  	s0 =	sor.u32 $0x4, s26;
	s30 =	sshll.u32 s30, $0x4  }
0x3d: {  	v1 =	vld [tilespmem:s30+$0x1B180];
	s30 =	sand.u32 $0xFFFF, s0  }
0x3e: {  	s30 =	smul.u32 $0xE38F, s30;
	_ =	sdelay $0x1  }
0x3f: {  	s30 =	sshrl.u32 s30, $0x13;
	v0 =	vmul.u32 $0x9, v0  }
0x40: {  	s30 =	smul.u32 $0x9, s30  }
0x41: {  	v0 =	vadd.s32 v1, v0  }
0x42: {  	s30 =	ssub.s32 s0, s30;
	[tilespmem:s29+$0xFFFFFFF0] =	vst v0  }
0x43: {  	s30 =	sand.u32 $0xFFFF, s30;
	v0 =	vld [tilespmem:s28+$0x0]  }
0x44: {  	s0 =	sor.u32 $0x5, s26;
	s30 =	sshll.u32 s30, $0x4  }
0x45: {  	v1 =	vld [tilespmem:s30+$0x1B180];
	s30 =	sand.u32 $0xFFFF, s0  }
0x46: {  	s30 =	smul.u32 $0xE38F, s30;
	_ =	sdelay $0x1  }
0x47: {  	s30 =	sshrl.u32 s30, $0x13;
	v0 =	vmul.u32 $0x9, v0  }
0x48: {  	s30 =	smul.u32 $0x9, s30  }
0x49: {  	v0 =	vadd.s32 v1, v0  }
0x4a: {  	s30 =	ssub.s32 s0, s30;
	[tilespmem:s29+$0x0] =	vst v0  }
0x4b: {  	s30 =	sand.u32 $0xFFFF, s30;
	v0 =	vld [tilespmem:s28+$0x10]  }
0x4c: {  	s31 =	sor.u32 $0x6, s26;
	s30 =	sshll.u32 s30, $0x4  }
0x4d: {  	s0 =	sand.u32 $0xFFFF, s31;
	v1 =	vld [tilespmem:s30+$0x1B180]  }
0x4e: {  	s0 =	smul.u32 $0xE38F, s0;
	_ =	sdelay $0x1  }
0x4f: {  	s0 =	sshrl.u32 s0, $0x13;
	v0 =	vmul.u32 $0x9, v0  }
0x50: {  	s0 =	smul.u32 $0x9, s0  }
0x51: {  	v0 =	vadd.s32 v1, v0  }
0x52: {  	s0 =	ssub.s32 s31, s0;
	[tilespmem:s29+$0x10] =	vst v0  }
0x53: {  	s30 =	sor.u32 $0x7, s26;
	s0 =	sand.u32 $0xFFFF, s0;
	v0 =	vld [tilespmem:s28+$0x20]  }
0x54: {  	s31 =	sand.u32 $0xFFFF, s30;
	s0 =	sshll.u32 s0, $0x4  }
0x55: {  	s31 =	smul.u32 $0xE38F, s31;
	v1 =	vld [tilespmem:s0+$0x1B180];
	_ =	sdelay $0x1  }
0x56: {  	s0 =	sshrl.u32 s31, $0x13  }
0x57: {  	s0 =	smul.u32 $0x9, s0;
	v0 =	vmul.u32 $0x9, v0;
	_ =	sdelay $0x1  }
0x58: {  	s0 =	ssub.s32 s30, s0;
	v0 =	vadd.s32 v1, v0  }
0x59: {  	s0 =	sand.u32 $0xFFFF, s0;
	[tilespmem:s29+$0x20] =	vst v0  }
0x5a: {  	s30 =	sshll.u32 s0, $0x4;
	v0 =	vld [tilespmem:s28+$0x30]  }
.LBB2_2:
0x5b: {  	s26 =	sadd.s32 $0x8, s26;
	v1 =	vld [tilespmem:s30+$0x1B180]  }
0x5c: {  	s0 =	smul.u32 $0xE38F, s26;
	p0 =	slt.u32 s26, $0x378;
	_ =	sdelay $0x1  }
0x5d: {  	s0 =	sshrl.u32 s0, $0x13  }
0x5e: {  	s0 =	smul.u32 $0x9, s0;
	v0 =	vmul.u32 $0x9, v0;
	_ =	sdelay $0x1  }
0x5f: {  	s0 =	ssub.s32 s26, s0;
	v0 =	vadd.s32 v1, v0  }
0x60: {  	s28 =	sadd.s32 $0x80, s28;
	s0 =	sand.u32 $0xFFFF, s0;
	[tilespmem:s29+$0x30] =	vst v0  }
0x61: {  	v0 =	vld [tilespmem:s28+$0xFFFFFFC0];
	s0 =	sshll.u32 s0, $0x4  }
0x62: {  	v1 =	vld [tilespmem:s0+$0x1B180];
	s0 =	sor.u32 $0x1, s26  }
0x63: {  	s30 =	sand.u32 $0xFFFF, s0  }
0x64: {  	s30 =	smul.u32 $0xE38F, s30;
	_ =	sdelay $0x1  }
0x65: {  	v0 =	vmul.u32 $0x9, v0;
	s30 =	sshrl.u32 s30, $0x13  }
0x66: {  	s30 =	smul.u32 $0x9, s30  }
0x67: {  	s29 =	sadd.s32 $0x80, s29;
	v0 =	vadd.s32 v1, v0  }
0x68: {  	[tilespmem:s29+$0xFFFFFFC0] =	vst v0;
	s0 =	ssub.s32 s0, s30  }
0x69: {  	v0 =	vld [tilespmem:s28+$0xFFFFFFD0];
	s0 =	sand.u32 $0xFFFF, s0  }
0x6a: {  	s30 =	sor.u32 $0x2, s26;
	s0 =	sshll.u32 s0, $0x4  }
0x6b: {  	v1 =	vld [tilespmem:s0+$0x1B180];
	s0 =	sand.u32 $0xFFFF, s30  }
0x6c: {  	s0 =	smul.u32 $0xE38F, s0;
	_ =	sdelay $0x1  }
0x6d: {  	v0 =	vmul.u32 $0x9, v0;
	s0 =	sshrl.u32 s0, $0x13  }
0x6e: {  	s0 =	smul.u32 $0x9, s0  }
0x6f: {  	v0 =	vadd.s32 v1, v0  }
0x70: {  	[tilespmem:s29+$0xFFFFFFD0] =	vst v0;
	s0 =	ssub.s32 s30, s0  }
0x71: {  	v0 =	vld [tilespmem:s28+$0xFFFFFFE0];
	s0 =	sand.u32 $0xFFFF, s0  }
0x72: {  	s30 =	sor.u32 $0x3, s26;
	s0 =	sshll.u32 s0, $0x4  }
0x73: {  	v1 =	vld [tilespmem:s0+$0x1B180];
	s0 =	sand.u32 $0xFFFF, s30  }
0x74: {  	s0 =	smul.u32 $0xE38F, s0;
	_ =	sdelay $0x1  }
0x75: {  	v0 =	vmul.u32 $0x9, v0;
	s0 =	sshrl.u32 s0, $0x13  }
0x76: {  	s0 =	smul.u32 $0x9, s0  }
0x77: {  	v0 =	vadd.s32 v1, v0  }
0x78: {  	[tilespmem:s29+$0xFFFFFFE0] =	vst v0;
	s0 =	ssub.s32 s30, s0  }
0x79: {  	v0 =	vld [tilespmem:s28+$0xFFFFFFF0];
	s0 =	sand.u32 $0xFFFF, s0  }
0x7a: {  	s30 =	sor.u32 $0x4, s26;
	s0 =	sshll.u32 s0, $0x4  }
0x7b: {  	v1 =	vld [tilespmem:s0+$0x1B180];
	s0 =	sand.u32 $0xFFFF, s30  }
0x7c: {  	s0 =	smul.u32 $0xE38F, s0;
	_ =	sdelay $0x1  }
0x7d: {  	v0 =	vmul.u32 $0x9, v0;
	s0 =	sshrl.u32 s0, $0x13  }
0x7e: {  	s0 =	smul.u32 $0x9, s0  }
0x7f: {  	v0 =	vadd.s32 v1, v0  }
0x80: {  	[tilespmem:s29+$0xFFFFFFF0] =	vst v0;
	s0 =	ssub.s32 s30, s0  }
0x81: {  	v0 =	vld [tilespmem:s28+$0x0];
	s0 =	sand.u32 $0xFFFF, s0  }
0x82: {  	s30 =	sor.u32 $0x5, s26;
	s0 =	sshll.u32 s0, $0x4  }
0x83: {  	v1 =	vld [tilespmem:s0+$0x1B180];
	s0 =	sand.u32 $0xFFFF, s30  }
0x84: {  	s0 =	smul.u32 $0xE38F, s0;
	_ =	sdelay $0x1  }
0x85: {  	v0 =	vmul.u32 $0x9, v0;
	s0 =	sshrl.u32 s0, $0x13  }
0x86: {  	s0 =	smul.u32 $0x9, s0  }
0x87: {  	v0 =	vadd.s32 v1, v0  }
0x88: {  	[tilespmem:s29+$0x0] =	vst v0;
	s0 =	ssub.s32 s30, s0  }
0x89: {  	s30 =	sor.u32 $0x6, s26;
	v0 =	vld [tilespmem:s28+$0x10];
	s0 =	sand.u32 $0xFFFF, s0  }
0x8a: {  	s31 =	sand.u32 $0xFFFF, s30;
	s0 =	sshll.u32 s0, $0x4  }
0x8b: {  	v1 =	vld [tilespmem:s0+$0x1B180];
	s0 =	smul.u32 $0xE38F, s31;
	_ =	sdelay $0x1  }
0x8c: {  	s0 =	sshrl.u32 s0, $0x13  }
0x8d: {  	v0 =	vmul.u32 $0x9, v0;
	s0 =	smul.u32 $0x9, s0;
	_ =	sdelay $0x1  }
0x8e: {  	v0 =	vadd.s32 v1, v0;
	s0 =	ssub.s32 s30, s0  }
0x8f: {  	[tilespmem:s29+$0x10] =	vst v0;
	s0 =	sand.u32 $0xFFFF, s0  }
0x90: {  	s30 =	sor.u32 $0x7, s26;
	v0 =	vld [tilespmem:s28+$0x20];
	s0 =	sshll.u32 s0, $0x4  }
0x91: {  	v1 =	vld [tilespmem:s0+$0x1B180];
	s0 =	sand.u32 $0xFFFF, s30  }
0x92: {  	s0 =	smul.u32 $0xE38F, s0;
	_ =	sdelay $0x1  }
0x93: {  	s0 =	sshrl.u32 s0, $0x13  }
0x94: {  	s0 =	smul.u32 $0x9, s0  }
.Ltmp2:
0x95: {  	v0 =	vmul.u32 $0x9, v0;
	(pc) =	sbr.rel @p0 .LBB2_2-.Ltmp2, $4  }
0x96: {  	_ = 	snop  }
0x97: {  	v0 =	vadd.s32 v1, v0;
	s0 =	ssub.s32 s30, s0  }
0x98: {  	[tilespmem:s29+$0x20] =	vst v0;
	s0 =	sand.u32 $0xFFFF, s0  }
0x99: {  	v0 =	vld [tilespmem:s28+$0x30];
	s30 =	sshll.u32 s0, $0x4  }
0x9a: {  	_ = 	snop  }
0x9b: {  	v1 =	vld [tilespmem:s30+$0x1B180];
	_ =	sdelay $0x2  }
0x9c: {  	v0 =	vmul.u32 $0x9, v0;
	_ =	sdelay $0x1  }
0x9d: {  	v0 =	vadd.s32 v1, v0  }
0x9e: {  	[tilespmem:s29+$0x30] =	vst v0  }
0x9f: {  	v0 =	vld [tilespmem:$0x3800]  }
0xa0: {  	v58 =	vld [tilespmem:$0x1B1D0]  }
0xa1: {  	v2 =	vld [tilespmem:$0x3810]  }
0xa2: {  	v3 =	vld [tilespmem:$0x1B1E0]  }
0xa3: {  	v4 =	vld [tilespmem:$0x3820]  }
0xa4: {  	v5 =	vld [tilespmem:$0x3830]  }
0xa5: {  	v6 =	vld [tilespmem:$0x1B1F0]  }
0xa6: {  	v7 =	vld [tilespmem:$0x1B200];
	v0 =	vmul.u32 $0x9, v0  }
0xa7: {  	v2 =	vmul.u32 $0x9, v2  }
0xa8: {  	v59 =	vmul.u32 $0x9, v4;
	v0 =	vadd.s32 v58, v0  }
0xa9: {  	v61 =	vmul.u32 $0x9, v5;
	v60 =	vadd.s32 v3, v2;
	[tilespmem:$0x7080] =	vst v0  }
0xaa: {  	v62 =	vadd.s32 v6, v59;
	[tilespmem:$0x7090] =	vst v60  }
0xab: {  	v63 =	vadd.s32 v7, v61;
	[tilespmem:$0x70A0] =	vst v62  }
0xac: {  	[tilespmem:$0x70B0] =	vst v63  }
0xad: {  	[tilespmem:s16], [sflag:$0x1] =	stream.indirect.gather [hbm4b:s5+s14], $0x80, s15, s14, $0xb8;
	[tilespmem:$0x1B280] =	vst v63  }
0xae: {  	s26 =	simm.s32 $0x0  }
0xaf: {  	[tilespmem:s18], [sflag:$0x2] =	stream.indirect.gather [hbm4b:s5+s14], $0x80, s17, s14, $0xb8;
	[tilespmem:$0x1B280] =	vst v63  }
.LBB2_4:
0xb0: {  	_ =	swait.ge [sflag:s19], $0x9000  }
0xb1: {  	p0 =	seq.s32 s26, $0x0;
	[sflag:s19] =	ssyncset.done $0x0  }
0xb2: {  	s0 =	simm.s32 @!p0 $0x3;
	[sflag:s19] =	ssyncadd.s32 $0xFFFF7000  }
0xb3: {  	_ =	swait.ge @!p0 [sflag:s0], $0x1000  }
0xb4: {  	[sflag:s0] =	ssyncset.done @!p0 $0x0  }
0xb5: {  	s28 =	simm.s32 $0x7340;
	[sflag:s0] =	ssyncadd.s32 @!p0 $0xFFFFF000  }
0xb6: {  	v0 =	vld [tilespmem:s28+$0xFFFFFDC0]  }
0xb7: {  	v1 =	vld [tilespmem:$0x1B100];
	_ =	sdelay $0x1  }
0xb8: {  	v2 =	vld [tilespmem:s28+$0xFFFFFE40];
	_ =	sdelay $0x1  }
0xb9: {  	v3 =	vld [tilespmem:s28+$0xFFFFFEC0]  }
0xba: {  	v0 =	vadd.f32 v0, v1  }
0xbb: {  	v1 =	vld [tilespmem:s28+$0xFFFFFF40]  }
0xbc: {  	v0 =	vadd.f32 v2, v0  }
0xbd: {  	v2 =	vld [tilespmem:s28+$0xFFFFFFC0]  }
0xbe: {  	v0 =	vadd.f32 v3, v0  }
0xbf: {  	v3 =	vld [tilespmem:s28+$0x40]  }
0xc0: {  	v0 =	vadd.f32 v1, v0  }
0xc1: {  	v1 =	vld [tilespmem:s28+$0xC0]  }
0xc2: {  	v0 =	vadd.f32 v2, v0  }
0xc3: {  	v2 =	vld [tilespmem:s28+$0x140]  }
0xc4: {  	v0 =	vadd.f32 v3, v0  }
0xc5: {  	v3 =	vld [tilespmem:s28+$0x1C0]  }
0xc6: {  	v0 =	vadd.f32 v1, v0;
	_ =	sdelay $0x1  }
0xc7: {  	v0 =	vadd.f32 v2, v0;
	_ =	sdelay $0x1  }
0xc8: {  	v0 =	vadd.f32 v3, v0  }
0xc9: {  	s29 =	simm.s32 $0x0  }
0xca: {  	[tilespmem:s29+$0x19100] =	vst v0  }
0xcb: {  	v0 =	vld [tilespmem:$0x1B110]  }
0xcc: {  	v1 =	vld [tilespmem:s28+$0xFFFFFDD0];
	_ =	sdelay $0x1  }
0xcd: {  	v2 =	vld [tilespmem:s28+$0xFFFFFE50];
	_ =	sdelay $0x1  }
0xce: {  	v3 =	vld [tilespmem:s28+$0xFFFFFED0]  }
0xcf: {  	v0 =	vadd.f32 v1, v0  }
0xd0: {  	v1 =	vld [tilespmem:s28+$0xFFFFFF50]  }
0xd1: {  	v0 =	vadd.f32 v2, v0  }
0xd2: {  	v2 =	vld [tilespmem:s28+$0xFFFFFFD0]  }
0xd3: {  	v0 =	vadd.f32 v3, v0  }
0xd4: {  	v3 =	vld [tilespmem:s28+$0x50]  }
0xd5: {  	v0 =	vadd.f32 v1, v0  }
0xd6: {  	v1 =	vld [tilespmem:s28+$0xD0]  }
0xd7: {  	v0 =	vadd.f32 v2, v0  }
0xd8: {  	v2 =	vld [tilespmem:s28+$0x150]  }
0xd9: {  	v0 =	vadd.f32 v3, v0  }
0xda: {  	v3 =	vld [tilespmem:s28+$0x1D0]  }
0xdb: {  	v0 =	vadd.f32 v1, v0;
	_ =	sdelay $0x1  }
0xdc: {  	v0 =	vadd.f32 v2, v0;
	_ =	sdelay $0x1  }
0xdd: {  	v0 =	vadd.f32 v3, v0;
	_ =	sdelay $0x1  }
0xde: {  	[tilespmem:s29+$0x19110] =	vst v0  }
0xdf: {  	v0 =	vld [tilespmem:$0x1B120]  }
0xe0: {  	v1 =	vld [tilespmem:s28+$0xFFFFFDE0];
	_ =	sdelay $0x1  }
0xe1: {  	v2 =	vld [tilespmem:s28+$0xFFFFFE60];
	_ =	sdelay $0x1  }
0xe2: {  	v3 =	vld [tilespmem:s28+$0xFFFFFEE0]  }
0xe3: {  	v0 =	vadd.f32 v1, v0  }
0xe4: {  	v1 =	vld [tilespmem:s28+$0xFFFFFF60]  }
0xe5: {  	v0 =	vadd.f32 v2, v0  }
0xe6: {  	v2 =	vld [tilespmem:s28+$0xFFFFFFE0]  }
0xe7: {  	v0 =	vadd.f32 v3, v0  }
0xe8: {  	v3 =	vld [tilespmem:s28+$0x60]  }
0xe9: {  	v0 =	vadd.f32 v1, v0  }
0xea: {  	v1 =	vld [tilespmem:s28+$0xE0]  }
0xeb: {  	v0 =	vadd.f32 v2, v0  }
0xec: {  	v2 =	vld [tilespmem:s28+$0x160]  }
0xed: {  	v0 =	vadd.f32 v3, v0  }
0xee: {  	v3 =	vld [tilespmem:s28+$0x1E0]  }
0xef: {  	v0 =	vadd.f32 v1, v0;
	_ =	sdelay $0x1  }
0xf0: {  	v0 =	vadd.f32 v2, v0;
	_ =	sdelay $0x1  }
0xf1: {  	v0 =	vadd.f32 v3, v0;
	_ =	sdelay $0x1  }
0xf2: {  	[tilespmem:s29+$0x19120] =	vst v0  }
0xf3: {  	v0 =	vld [tilespmem:$0x1B130]  }
0xf4: {  	v1 =	vld [tilespmem:s28+$0xFFFFFDF0];
	_ =	sdelay $0x1  }
0xf5: {  	v2 =	vld [tilespmem:s28+$0xFFFFFE70];
	_ =	sdelay $0x1  }
0xf6: {  	v3 =	vld [tilespmem:s28+$0xFFFFFEF0]  }
0xf7: {  	v0 =	vadd.f32 v1, v0  }
0xf8: {  	v1 =	vld [tilespmem:s28+$0xFFFFFF70]  }
0xf9: {  	v0 =	vadd.f32 v2, v0  }
0xfa: {  	v2 =	vld [tilespmem:s28+$0xFFFFFFF0]  }
0xfb: {  	v0 =	vadd.f32 v3, v0  }
0xfc: {  	v3 =	vld [tilespmem:s28+$0x70]  }
0xfd: {  	v0 =	vadd.f32 v1, v0  }
0xfe: {  	v1 =	vld [tilespmem:s28+$0xF0]  }
0xff: {  	v0 =	vadd.f32 v2, v0  }
0x100: {  	v2 =	vld [tilespmem:s28+$0x170]  }
0x101: {  	v0 =	vadd.f32 v3, v0  }
0x102: {  	v3 =	vld [tilespmem:s28+$0x1F0]  }
0x103: {  	v0 =	vadd.f32 v1, v0;
	_ =	sdelay $0x1  }
0x104: {  	v0 =	vadd.f32 v2, v0;
	_ =	sdelay $0x1  }
0x105: {  	v0 =	vadd.f32 v3, v0;
	_ =	sdelay $0x1  }
0x106: {  	[tilespmem:s29+$0x19130] =	vst v0  }
0x107: {  	v0 =	vld [tilespmem:$0x1B140]  }
0x108: {  	v1 =	vld [tilespmem:s28+$0xFFFFFE00];
	_ =	sdelay $0x1  }
0x109: {  	v2 =	vld [tilespmem:s28+$0xFFFFFE80];
	_ =	sdelay $0x1  }
0x10a: {  	v3 =	vld [tilespmem:s28+$0xFFFFFF00]  }
0x10b: {  	v0 =	vadd.f32 v1, v0  }
0x10c: {  	v1 =	vld [tilespmem:s28+$0xFFFFFF80]  }
0x10d: {  	v0 =	vadd.f32 v2, v0  }
0x10e: {  	v2 =	vld [tilespmem:s28+$0x0]  }
0x10f: {  	v0 =	vadd.f32 v3, v0  }
0x110: {  	v3 =	vld [tilespmem:s28+$0x80]  }
0x111: {  	v0 =	vadd.f32 v1, v0  }
0x112: {  	v1 =	vld [tilespmem:s28+$0x100]  }
0x113: {  	v0 =	vadd.f32 v2, v0  }
0x114: {  	v2 =	vld [tilespmem:s28+$0x180]  }
0x115: {  	v0 =	vadd.f32 v3, v0  }
0x116: {  	v3 =	vld [tilespmem:s28+$0x200]  }
0x117: {  	v0 =	vadd.f32 v1, v0;
	_ =	sdelay $0x1  }
0x118: {  	v0 =	vadd.f32 v2, v0;
	_ =	sdelay $0x1  }
0x119: {  	v0 =	vadd.f32 v3, v0;
	_ =	sdelay $0x1  }
0x11a: {  	[tilespmem:s29+$0x19140] =	vst v0  }
0x11b: {  	v0 =	vld [tilespmem:$0x1B150]  }
0x11c: {  	v1 =	vld [tilespmem:s28+$0xFFFFFE10];
	_ =	sdelay $0x1  }
0x11d: {  	v2 =	vld [tilespmem:s28+$0xFFFFFE90];
	_ =	sdelay $0x1  }
0x11e: {  	v3 =	vld [tilespmem:s28+$0xFFFFFF10]  }
0x11f: {  	v0 =	vadd.f32 v1, v0  }
0x120: {  	v1 =	vld [tilespmem:s28+$0xFFFFFF90]  }
0x121: {  	v0 =	vadd.f32 v2, v0  }
0x122: {  	v2 =	vld [tilespmem:s28+$0x10]  }
0x123: {  	v0 =	vadd.f32 v3, v0  }
0x124: {  	v3 =	vld [tilespmem:s28+$0x90]  }
0x125: {  	v0 =	vadd.f32 v1, v0  }
0x126: {  	v1 =	vld [tilespmem:s28+$0x110]  }
0x127: {  	v0 =	vadd.f32 v2, v0  }
0x128: {  	v2 =	vld [tilespmem:s28+$0x190]  }
0x129: {  	v0 =	vadd.f32 v3, v0  }
0x12a: {  	v3 =	vld [tilespmem:s28+$0x210]  }
0x12b: {  	v0 =	vadd.f32 v1, v0;
	_ =	sdelay $0x1  }
0x12c: {  	v0 =	vadd.f32 v2, v0;
	_ =	sdelay $0x1  }
0x12d: {  	v0 =	vadd.f32 v3, v0;
	_ =	sdelay $0x1  }
0x12e: {  	[tilespmem:s29+$0x19150] =	vst v0  }
0x12f: {  	v0 =	vld [tilespmem:$0x1B160]  }
0x130: {  	v1 =	vld [tilespmem:s28+$0xFFFFFE20];
	_ =	sdelay $0x1  }
0x131: {  	v2 =	vld [tilespmem:s28+$0xFFFFFEA0];
	_ =	sdelay $0x1  }
0x132: {  	v3 =	vld [tilespmem:s28+$0xFFFFFF20]  }
0x133: {  	v0 =	vadd.f32 v1, v0  }
0x134: {  	v1 =	vld [tilespmem:s28+$0xFFFFFFA0]  }
0x135: {  	v0 =	vadd.f32 v2, v0  }
0x136: {  	v2 =	vld [tilespmem:s28+$0x20]  }
0x137: {  	v0 =	vadd.f32 v3, v0  }
0x138: {  	v3 =	vld [tilespmem:s28+$0xA0]  }
0x139: {  	v0 =	vadd.f32 v1, v0  }
0x13a: {  	v1 =	vld [tilespmem:s28+$0x120]  }
0x13b: {  	v0 =	vadd.f32 v2, v0  }
0x13c: {  	v2 =	vld [tilespmem:s28+$0x1A0]  }
0x13d: {  	v0 =	vadd.f32 v3, v0  }
0x13e: {  	v3 =	vld [tilespmem:s28+$0x220]  }
0x13f: {  	v0 =	vadd.f32 v1, v0;
	_ =	sdelay $0x1  }
0x140: {  	v0 =	vadd.f32 v2, v0;
	_ =	sdelay $0x1  }
0x141: {  	v0 =	vadd.f32 v3, v0;
	_ =	sdelay $0x1  }
0x142: {  	[tilespmem:s29+$0x19160] =	vst v0  }
0x143: {  	v0 =	vld [tilespmem:$0x1B170]  }
0x144: {  	v1 =	vld [tilespmem:s28+$0xFFFFFE30];
	_ =	sdelay $0x1  }
0x145: {  	v2 =	vld [tilespmem:s28+$0xFFFFFEB0];
	_ =	sdelay $0x1  }
0x146: {  	v3 =	vld [tilespmem:s28+$0xFFFFFF30]  }
0x147: {  	v0 =	vadd.f32 v1, v0  }
0x148: {  	v1 =	vld [tilespmem:s28+$0xFFFFFFB0]  }
0x149: {  	v0 =	vadd.f32 v2, v0  }
0x14a: {  	v4 =	vld [tilespmem:s28+$0x30]  }
0x14b: {  	v2 =	vadd.f32 v3, v0  }
0x14c: {  	v3 =	vld [tilespmem:s28+$0xB0]  }
0x14d: {  	v0 =	vld [tilespmem:s28+$0x130];
	v5 =	vadd.f32 v1, v2  }
0x14e: {  	v2 =	vld [tilespmem:s28+$0x1B0]  }
0x14f: {  	s30 =	simm.s32 $0x200;
	v1 =	vld [tilespmem:s28+$0x230];
	v4 =	vadd.f32 v4, v5  }
.LBB2_5:
0x150: {  	p1 =	sne.s32 s30, $0x3E00  }
0x151: {  	s28 =	sadd.s32 $0x480, s28;
	s0 =	smov.u32 s30;
	s30 =	sadd.s32 $0x200, s30;
	v3 =	vadd.f32 v3, v4  }
0x152: {  	_ = 	snop  }
0x153: {  	v0 =	vadd.f32 v0, v3;
	_ =	sdelay $0x1  }
0x154: {  	v0 =	vadd.f32 v2, v0;
	_ =	sdelay $0x1  }
0x155: {  	v0 =	vadd.f32 v1, v0;
	_ =	sdelay $0x1  }
0x156: {  	[tilespmem:s29+$0x19170] =	vst v0  }
0x157: {  	v0 =	vld [tilespmem:s28+$0xFFFFFDC0]  }
0x158: {  	v1 =	vld [tilespmem:$0x1B100]  }
0x159: {  	v2 =	vld [tilespmem:s28+$0xFFFFFE40];
	_ =	sdelay $0x2  }
0x15a: {  	v3 =	vld [tilespmem:s28+$0xFFFFFEC0]  }
0x15b: {  	v0 =	vadd.f32 v0, v1  }
0x15c: {  	v1 =	vld [tilespmem:s28+$0xFFFFFF40]  }
0x15d: {  	v0 =	vadd.f32 v2, v0  }
0x15e: {  	v2 =	vld [tilespmem:s28+$0xFFFFFFC0]  }
0x15f: {  	v0 =	vadd.f32 v3, v0  }
0x160: {  	v3 =	vld [tilespmem:s28+$0x40]  }
0x161: {  	v0 =	vadd.f32 v1, v0  }
0x162: {  	v1 =	vld [tilespmem:s28+$0xC0]  }
0x163: {  	v0 =	vadd.f32 v2, v0  }
0x164: {  	v2 =	vld [tilespmem:s28+$0x140]  }
0x165: {  	v0 =	vadd.f32 v3, v0  }
0x166: {  	v3 =	vld [tilespmem:s28+$0x1C0]  }
0x167: {  	v0 =	vadd.f32 v1, v0;
	_ =	sdelay $0x1  }
0x168: {  	v0 =	vadd.f32 v2, v0;
	_ =	sdelay $0x1  }
0x169: {  	v0 =	vadd.f32 v3, v0  }
0x16a: {  	s29 =	sshra.s32 s0, $0x2  }
0x16b: {  	[tilespmem:s29+$0x19100] =	vst v0  }
0x16c: {  	v0 =	vld [tilespmem:$0x1B110]  }
0x16d: {  	v1 =	vld [tilespmem:s28+$0xFFFFFDD0];
	_ =	sdelay $0x1  }
0x16e: {  	v2 =	vld [tilespmem:s28+$0xFFFFFE50];
	_ =	sdelay $0x1  }
0x16f: {  	v3 =	vld [tilespmem:s28+$0xFFFFFED0]  }
0x170: {  	v0 =	vadd.f32 v1, v0  }
0x171: {  	v1 =	vld [tilespmem:s28+$0xFFFFFF50]  }
0x172: {  	v0 =	vadd.f32 v2, v0  }
0x173: {  	v2 =	vld [tilespmem:s28+$0xFFFFFFD0]  }
0x174: {  	v0 =	vadd.f32 v3, v0  }
0x175: {  	v3 =	vld [tilespmem:s28+$0x50]  }
0x176: {  	v0 =	vadd.f32 v1, v0  }
0x177: {  	v1 =	vld [tilespmem:s28+$0xD0]  }
0x178: {  	v0 =	vadd.f32 v2, v0  }
0x179: {  	v2 =	vld [tilespmem:s28+$0x150]  }
0x17a: {  	v0 =	vadd.f32 v3, v0  }
0x17b: {  	v3 =	vld [tilespmem:s28+$0x1D0]  }
0x17c: {  	v0 =	vadd.f32 v1, v0;
	_ =	sdelay $0x1  }
0x17d: {  	v0 =	vadd.f32 v2, v0;
	_ =	sdelay $0x1  }
0x17e: {  	v0 =	vadd.f32 v3, v0;
	_ =	sdelay $0x1  }
0x17f: {  	[tilespmem:s29+$0x19110] =	vst v0  }
0x180: {  	v0 =	vld [tilespmem:$0x1B120]  }
0x181: {  	v1 =	vld [tilespmem:s28+$0xFFFFFDE0];
	_ =	sdelay $0x1  }
0x182: {  	v2 =	vld [tilespmem:s28+$0xFFFFFE60];
	_ =	sdelay $0x1  }
0x183: {  	v3 =	vld [tilespmem:s28+$0xFFFFFEE0]  }
0x184: {  	v0 =	vadd.f32 v1, v0  }
0x185: {  	v1 =	vld [tilespmem:s28+$0xFFFFFF60]  }
0x186: {  	v0 =	vadd.f32 v2, v0  }
0x187: {  	v2 =	vld [tilespmem:s28+$0xFFFFFFE0]  }
0x188: {  	v0 =	vadd.f32 v3, v0  }
0x189: {  	v3 =	vld [tilespmem:s28+$0x60]  }
0x18a: {  	v0 =	vadd.f32 v1, v0  }
0x18b: {  	v1 =	vld [tilespmem:s28+$0xE0]  }
0x18c: {  	v0 =	vadd.f32 v2, v0  }
0x18d: {  	v2 =	vld [tilespmem:s28+$0x160]  }
0x18e: {  	v0 =	vadd.f32 v3, v0  }
0x18f: {  	v3 =	vld [tilespmem:s28+$0x1E0]  }
0x190: {  	v0 =	vadd.f32 v1, v0;
	_ =	sdelay $0x1  }
0x191: {  	v0 =	vadd.f32 v2, v0;
	_ =	sdelay $0x1  }
0x192: {  	v0 =	vadd.f32 v3, v0;
	_ =	sdelay $0x1  }
0x193: {  	[tilespmem:s29+$0x19120] =	vst v0  }
0x194: {  	v0 =	vld [tilespmem:$0x1B130]  }
0x195: {  	v1 =	vld [tilespmem:s28+$0xFFFFFDF0];
	_ =	sdelay $0x1  }
0x196: {  	v2 =	vld [tilespmem:s28+$0xFFFFFE70];
	_ =	sdelay $0x1  }
0x197: {  	v3 =	vld [tilespmem:s28+$0xFFFFFEF0]  }
0x198: {  	v0 =	vadd.f32 v1, v0  }
0x199: {  	v1 =	vld [tilespmem:s28+$0xFFFFFF70]  }
0x19a: {  	v0 =	vadd.f32 v2, v0  }
0x19b: {  	v2 =	vld [tilespmem:s28+$0xFFFFFFF0]  }
0x19c: {  	v0 =	vadd.f32 v3, v0  }
0x19d: {  	v3 =	vld [tilespmem:s28+$0x70]  }
0x19e: {  	v0 =	vadd.f32 v1, v0  }
0x19f: {  	v1 =	vld [tilespmem:s28+$0xF0]  }
0x1a0: {  	v0 =	vadd.f32 v2, v0  }
0x1a1: {  	v2 =	vld [tilespmem:s28+$0x170]  }
0x1a2: {  	v0 =	vadd.f32 v3, v0  }
0x1a3: {  	v3 =	vld [tilespmem:s28+$0x1F0]  }
0x1a4: {  	v0 =	vadd.f32 v1, v0;
	_ =	sdelay $0x1  }
0x1a5: {  	v0 =	vadd.f32 v2, v0;
	_ =	sdelay $0x1  }
0x1a6: {  	v0 =	vadd.f32 v3, v0;
	_ =	sdelay $0x1  }
0x1a7: {  	[tilespmem:s29+$0x19130] =	vst v0  }
0x1a8: {  	v0 =	vld [tilespmem:$0x1B140]  }
0x1a9: {  	v1 =	vld [tilespmem:s28+$0xFFFFFE00];
	_ =	sdelay $0x1  }
0x1aa: {  	v2 =	vld [tilespmem:s28+$0xFFFFFE80];
	_ =	sdelay $0x1  }
0x1ab: {  	v3 =	vld [tilespmem:s28+$0xFFFFFF00]  }
0x1ac: {  	v0 =	vadd.f32 v1, v0  }
0x1ad: {  	v1 =	vld [tilespmem:s28+$0xFFFFFF80]  }
0x1ae: {  	v0 =	vadd.f32 v2, v0  }
0x1af: {  	v2 =	vld [tilespmem:s28+$0x0]  }
0x1b0: {  	v0 =	vadd.f32 v3, v0  }
0x1b1: {  	v3 =	vld [tilespmem:s28+$0x80]  }
0x1b2: {  	v0 =	vadd.f32 v1, v0  }
0x1b3: {  	v1 =	vld [tilespmem:s28+$0x100]  }
0x1b4: {  	v0 =	vadd.f32 v2, v0  }
0x1b5: {  	v2 =	vld [tilespmem:s28+$0x180]  }
0x1b6: {  	v0 =	vadd.f32 v3, v0  }
0x1b7: {  	v3 =	vld [tilespmem:s28+$0x200]  }
0x1b8: {  	v0 =	vadd.f32 v1, v0;
	_ =	sdelay $0x1  }
0x1b9: {  	v0 =	vadd.f32 v2, v0;
	_ =	sdelay $0x1  }
0x1ba: {  	v0 =	vadd.f32 v3, v0;
	_ =	sdelay $0x1  }
0x1bb: {  	[tilespmem:s29+$0x19140] =	vst v0  }
0x1bc: {  	v0 =	vld [tilespmem:$0x1B150]  }
0x1bd: {  	v1 =	vld [tilespmem:s28+$0xFFFFFE10]  }
0x1be: {  	v2 =	vld [tilespmem:s28+$0xFFFFFE90]  }
0x1bf: {  	v3 =	vld [tilespmem:s28+$0xFFFFFF10]  }
0x1c0: {  	v4 =	vld [tilespmem:s28+$0xFFFFFF90]  }
0x1c1: {  	v5 =	vld [tilespmem:s28+$0x10]  }
0x1c2: {  	v0 =	vadd.f32 v1, v0;
	v1 =	vld [tilespmem:s28+$0x90]  }
0x1c3: {  	v6 =	vld [tilespmem:s28+$0x110]  }
0x1c4: {  	v0 =	vadd.f32 v2, v0;
	v2 =	vld [tilespmem:s28+$0x190]  }
0x1c5: {  	v7 =	vld [tilespmem:s28+$0x210]  }
0x1c6: {  	v0 =	vadd.f32 v3, v0;
	_ =	sdelay $0x1  }
0x1c7: {  	v0 =	vadd.f32 v4, v0;
	_ =	sdelay $0x1  }
0x1c8: {  	v0 =	vadd.f32 v5, v0;
	_ =	sdelay $0x1  }
0x1c9: {  	v0 =	vadd.f32 v1, v0;
	_ =	sdelay $0x1  }
0x1ca: {  	v0 =	vadd.f32 v6, v0;
	_ =	sdelay $0x1  }
0x1cb: {  	v0 =	vadd.f32 v2, v0;
	_ =	sdelay $0x1  }
0x1cc: {  	v0 =	vadd.f32 v7, v0;
	_ =	sdelay $0x1  }
0x1cd: {  	[tilespmem:s29+$0x19150] =	vst v0  }
0x1ce: {  	v0 =	vld [tilespmem:$0x1B160]  }
0x1cf: {  	v1 =	vld [tilespmem:s28+$0xFFFFFE20]  }
0x1d0: {  	v2 =	vld [tilespmem:s28+$0xFFFFFEA0]  }
0x1d1: {  	v3 =	vld [tilespmem:s28+$0xFFFFFF20]  }
0x1d2: {  	v4 =	vld [tilespmem:s28+$0xFFFFFFA0]  }
0x1d3: {  	v5 =	vld [tilespmem:s28+$0x20]  }
0x1d4: {  	v0 =	vadd.f32 v1, v0;
	v1 =	vld [tilespmem:s28+$0xA0]  }
0x1d5: {  	v6 =	vld [tilespmem:s28+$0x120]  }
0x1d6: {  	v0 =	vadd.f32 v2, v0;
	v2 =	vld [tilespmem:s28+$0x1A0]  }
0x1d7: {  	v7 =	vld [tilespmem:s28+$0x220]  }
0x1d8: {  	v0 =	vadd.f32 v3, v0;
	_ =	sdelay $0x1  }
0x1d9: {  	v0 =	vadd.f32 v4, v0;
	_ =	sdelay $0x1  }
0x1da: {  	v0 =	vadd.f32 v5, v0;
	_ =	sdelay $0x1  }
0x1db: {  	v0 =	vadd.f32 v1, v0;
	_ =	sdelay $0x1  }
0x1dc: {  	v0 =	vadd.f32 v6, v0;
	_ =	sdelay $0x1  }
0x1dd: {  	v0 =	vadd.f32 v2, v0;
	_ =	sdelay $0x1  }
0x1de: {  	v0 =	vadd.f32 v7, v0;
	_ =	sdelay $0x1  }
0x1df: {  	[tilespmem:s29+$0x19160] =	vst v0  }
0x1e0: {  	v0 =	vld [tilespmem:$0x1B170]  }
0x1e1: {  	v1 =	vld [tilespmem:s28+$0xFFFFFE30]  }
0x1e2: {  	v2 =	vld [tilespmem:s28+$0xFFFFFEB0]  }
0x1e3: {  	v4 =	vld [tilespmem:s28+$0xFFFFFF30]  }
0x1e4: {  	v5 =	vld [tilespmem:s28+$0xFFFFFFB0]  }
0x1e5: {  	v6 =	vld [tilespmem:s28+$0x30]  }
0x1e6: {  	v1 =	vadd.f32 v1, v0;
	v3 =	vld [tilespmem:s28+$0xB0]  }
0x1e7: {  	v0 =	vld [tilespmem:s28+$0x130]  }
0x1e8: {  	v7 =	vadd.f32 v2, v1;
	v2 =	vld [tilespmem:s28+$0x1B0]  }
0x1e9: {  	v1 =	vld [tilespmem:s28+$0x230]  }
.Ltmp3:
0x1ea: {  	v4 =	vadd.f32 v4, v7;
	(pc) =	sbr.rel @p1 .LBB2_5-.Ltmp3, $3  }
0x1eb: {  	_ = 	snop  }
0x1ec: {  	v4 =	vadd.f32 v5, v4;
	_ =	sdelay $0x1  }
0x1ed: {  	v4 =	vadd.f32 v6, v4  }
0x1ee: {  	_ = 	snop  }
0x1ef: {  	v3 =	vadd.f32 v3, v4;
	_ =	sdelay $0x1  }
0x1f0: {  	v0 =	vadd.f32 v0, v3;
	_ =	sdelay $0x1  }
0x1f1: {  	p1 =	sne.s32 s26, $0x18;
	v0 =	vadd.f32 v2, v0  }
.Ltmp4:
0x1f2: {  	s0 =	sshll.u32 s26, $0xD;
	(pc) =	sbr.rel @p1 .LBB2_8-.Ltmp4, $4  }
0x1f3: {  	s0 =	sadd.s32 s8, s0;
	v0 =	vadd.f32 v1, v0  }
0x1f4: {  	s0 =	sshrl.u32 s0, $0x3  }
0x1f5: {  	s0 =	sadd.s32 s6, s0;
	[tilespmem:s29+$0x19170] =	vst v0  }
0x1f6: {  	[hbm4b:s0+s3] =	stream.linear.scatter [tilespmem:s20], [sflag:$0x3], $0x1000, $0x38;
	[tilespmem:$0x1B280] =	vst v63  }
.Ltmp5:
0x1f7: {  	(pc) =	sbr.rel .LBB2_9-.Ltmp5, $4  }
0x1f8: {  	_ = 	snop  }
0x1f9: {  	_ =	swait.ge [sflag:s21], $0x9000  }
0x1fa: {  	[sflag:s21] =	ssyncset.done $0x0  }
0x1fb: {  	[sflag:s21] =	ssyncadd.s32 $0xFFFF7000  }
.LBB2_8:
0x1fc: {  	s0 =	smul.u32 $0x900, s26;
	_ =	sdelay $0x1  }
0x1fd: {  	s0 =	sshra.s32 s0, $0x2  }
.Ltmp6:
0x1fe: {  	s0 =	sadd.s32 $0x3AC0, s0;
	(pc) =	sbr.rel @p0 .LBB2_10-.Ltmp6, $4  }
0x1ff: {  	[tilespmem:s16], [sflag:$0x1] =	stream.indirect.gather [hbm4b:s5+s14], $0x80, s0, s14, $0xb8;
	[tilespmem:$0x1B280] =	vst v63  }
0x200: {  	_ =	swait.ge [sflag:s21], $0x9000  }
0x201: {  	[sflag:s21] =	ssyncset.done $0x0  }
0x202: {  	[sflag:s21] =	ssyncadd.s32 $0xFFFF7000  }
.LBB2_9:
0x203: {  	_ =	swait.ge [sflag:s22], $0x1000  }
0x204: {  	[sflag:s22] =	ssyncset.done $0x0  }
0x205: {  	[sflag:s22] =	ssyncadd.s32 $0xFFFFF000  }
.LBB2_10:
0x206: {  	s28 =	simm.s32 $0x10340;
	v1 =	vld [tilespmem:$0x1B100]  }
0x207: {  	v0 =	vld [tilespmem:s28+$0xFFFFFDC0];
	_ =	sdelay $0x1  }
0x208: {  	v2 =	vld [tilespmem:s28+$0xFFFFFE40];
	_ =	sdelay $0x1  }
0x209: {  	v3 =	vld [tilespmem:s28+$0xFFFFFEC0]  }
0x20a: {  	v0 =	vadd.f32 v0, v1  }
0x20b: {  	v1 =	vld [tilespmem:s28+$0xFFFFFF40]  }
0x20c: {  	v0 =	vadd.f32 v2, v0  }
0x20d: {  	v2 =	vld [tilespmem:s28+$0xFFFFFFC0]  }
0x20e: {  	v0 =	vadd.f32 v3, v0  }
0x20f: {  	v3 =	vld [tilespmem:s28+$0x40]  }
0x210: {  	v0 =	vadd.f32 v1, v0  }
0x211: {  	v1 =	vld [tilespmem:s28+$0xC0]  }
0x212: {  	v0 =	vadd.f32 v2, v0  }
0x213: {  	v2 =	vld [tilespmem:s28+$0x140]  }
0x214: {  	v0 =	vadd.f32 v3, v0  }
0x215: {  	v3 =	vld [tilespmem:s28+$0x1C0]  }
0x216: {  	v0 =	vadd.f32 v1, v0;
	_ =	sdelay $0x1  }
0x217: {  	v0 =	vadd.f32 v2, v0;
	_ =	sdelay $0x1  }
0x218: {  	v0 =	vadd.f32 v3, v0  }
0x219: {  	s29 =	simm.s32 $0x0  }
0x21a: {  	[tilespmem:s29+$0x1A100] =	vst v0  }
0x21b: {  	v0 =	vld [tilespmem:$0x1B110]  }
0x21c: {  	v1 =	vld [tilespmem:s28+$0xFFFFFDD0];
	_ =	sdelay $0x1  }
0x21d: {  	v2 =	vld [tilespmem:s28+$0xFFFFFE50];
	_ =	sdelay $0x1  }
0x21e: {  	v3 =	vld [tilespmem:s28+$0xFFFFFED0]  }
0x21f: {  	v0 =	vadd.f32 v1, v0  }
0x220: {  	v1 =	vld [tilespmem:s28+$0xFFFFFF50]  }
0x221: {  	v0 =	vadd.f32 v2, v0  }
0x222: {  	v2 =	vld [tilespmem:s28+$0xFFFFFFD0]  }
0x223: {  	v0 =	vadd.f32 v3, v0  }
0x224: {  	v3 =	vld [tilespmem:s28+$0x50]  }
0x225: {  	v0 =	vadd.f32 v1, v0  }
0x226: {  	v1 =	vld [tilespmem:s28+$0xD0]  }
0x227: {  	v0 =	vadd.f32 v2, v0  }
0x228: {  	v2 =	vld [tilespmem:s28+$0x150]  }
0x229: {  	v0 =	vadd.f32 v3, v0  }
0x22a: {  	v3 =	vld [tilespmem:s28+$0x1D0]  }
0x22b: {  	v0 =	vadd.f32 v1, v0;
	_ =	sdelay $0x1  }
0x22c: {  	v0 =	vadd.f32 v2, v0;
	_ =	sdelay $0x1  }
0x22d: {  	v0 =	vadd.f32 v3, v0;
	_ =	sdelay $0x1  }
0x22e: {  	[tilespmem:s29+$0x1A110] =	vst v0  }
0x22f: {  	v0 =	vld [tilespmem:$0x1B120]  }
0x230: {  	v1 =	vld [tilespmem:s28+$0xFFFFFDE0];
	_ =	sdelay $0x1  }
0x231: {  	v2 =	vld [tilespmem:s28+$0xFFFFFE60];
	_ =	sdelay $0x1  }
0x232: {  	v3 =	vld [tilespmem:s28+$0xFFFFFEE0]  }
0x233: {  	v0 =	vadd.f32 v1, v0  }
0x234: {  	v1 =	vld [tilespmem:s28+$0xFFFFFF60]  }
0x235: {  	v0 =	vadd.f32 v2, v0  }
0x236: {  	v2 =	vld [tilespmem:s28+$0xFFFFFFE0]  }
0x237: {  	v0 =	vadd.f32 v3, v0  }
0x238: {  	v3 =	vld [tilespmem:s28+$0x60]  }
0x239: {  	v0 =	vadd.f32 v1, v0  }
0x23a: {  	v1 =	vld [tilespmem:s28+$0xE0]  }
0x23b: {  	v0 =	vadd.f32 v2, v0  }
0x23c: {  	v2 =	vld [tilespmem:s28+$0x160]  }
0x23d: {  	v0 =	vadd.f32 v3, v0  }
0x23e: {  	v3 =	vld [tilespmem:s28+$0x1E0]  }
0x23f: {  	v0 =	vadd.f32 v1, v0;
	_ =	sdelay $0x1  }
0x240: {  	v0 =	vadd.f32 v2, v0;
	_ =	sdelay $0x1  }
0x241: {  	v0 =	vadd.f32 v3, v0;
	_ =	sdelay $0x1  }
0x242: {  	[tilespmem:s29+$0x1A120] =	vst v0  }
0x243: {  	v0 =	vld [tilespmem:$0x1B130]  }
0x244: {  	v1 =	vld [tilespmem:s28+$0xFFFFFDF0];
	_ =	sdelay $0x1  }
0x245: {  	v2 =	vld [tilespmem:s28+$0xFFFFFE70];
	_ =	sdelay $0x1  }
0x246: {  	v3 =	vld [tilespmem:s28+$0xFFFFFEF0]  }
0x247: {  	v0 =	vadd.f32 v1, v0  }
0x248: {  	v1 =	vld [tilespmem:s28+$0xFFFFFF70]  }
0x249: {  	v0 =	vadd.f32 v2, v0  }
0x24a: {  	v2 =	vld [tilespmem:s28+$0xFFFFFFF0]  }
0x24b: {  	v0 =	vadd.f32 v3, v0  }
0x24c: {  	v3 =	vld [tilespmem:s28+$0x70]  }
0x24d: {  	v0 =	vadd.f32 v1, v0  }
0x24e: {  	v1 =	vld [tilespmem:s28+$0xF0]  }
0x24f: {  	v0 =	vadd.f32 v2, v0  }
0x250: {  	v2 =	vld [tilespmem:s28+$0x170]  }
0x251: {  	v0 =	vadd.f32 v3, v0  }
0x252: {  	v3 =	vld [tilespmem:s28+$0x1F0]  }
0x253: {  	v0 =	vadd.f32 v1, v0;
	_ =	sdelay $0x1  }
0x254: {  	v0 =	vadd.f32 v2, v0;
	_ =	sdelay $0x1  }
0x255: {  	v0 =	vadd.f32 v3, v0;
	_ =	sdelay $0x1  }
0x256: {  	[tilespmem:s29+$0x1A130] =	vst v0  }
0x257: {  	v0 =	vld [tilespmem:$0x1B140]  }
0x258: {  	v1 =	vld [tilespmem:s28+$0xFFFFFE00];
	_ =	sdelay $0x1  }
0x259: {  	v2 =	vld [tilespmem:s28+$0xFFFFFE80];
	_ =	sdelay $0x1  }
0x25a: {  	v3 =	vld [tilespmem:s28+$0xFFFFFF00]  }
0x25b: {  	v0 =	vadd.f32 v1, v0  }
0x25c: {  	v1 =	vld [tilespmem:s28+$0xFFFFFF80]  }
0x25d: {  	v0 =	vadd.f32 v2, v0  }
0x25e: {  	v2 =	vld [tilespmem:s28+$0x0]  }
0x25f: {  	v0 =	vadd.f32 v3, v0  }
0x260: {  	v3 =	vld [tilespmem:s28+$0x80]  }
0x261: {  	v0 =	vadd.f32 v1, v0  }
0x262: {  	v1 =	vld [tilespmem:s28+$0x100]  }
0x263: {  	v0 =	vadd.f32 v2, v0  }
0x264: {  	v2 =	vld [tilespmem:s28+$0x180]  }
0x265: {  	v0 =	vadd.f32 v3, v0  }
0x266: {  	v3 =	vld [tilespmem:s28+$0x200]  }
0x267: {  	v0 =	vadd.f32 v1, v0;
	_ =	sdelay $0x1  }
0x268: {  	v0 =	vadd.f32 v2, v0;
	_ =	sdelay $0x1  }
0x269: {  	v0 =	vadd.f32 v3, v0;
	_ =	sdelay $0x1  }
0x26a: {  	[tilespmem:s29+$0x1A140] =	vst v0  }
0x26b: {  	v0 =	vld [tilespmem:$0x1B150]  }
0x26c: {  	v1 =	vld [tilespmem:s28+$0xFFFFFE10];
	_ =	sdelay $0x1  }
0x26d: {  	v2 =	vld [tilespmem:s28+$0xFFFFFE90];
	_ =	sdelay $0x1  }
0x26e: {  	v3 =	vld [tilespmem:s28+$0xFFFFFF10]  }
0x26f: {  	v0 =	vadd.f32 v1, v0  }
0x270: {  	v1 =	vld [tilespmem:s28+$0xFFFFFF90]  }
0x271: {  	v0 =	vadd.f32 v2, v0  }
0x272: {  	v2 =	vld [tilespmem:s28+$0x10]  }
0x273: {  	v0 =	vadd.f32 v3, v0  }
0x274: {  	v3 =	vld [tilespmem:s28+$0x90]  }
0x275: {  	v0 =	vadd.f32 v1, v0  }
0x276: {  	v1 =	vld [tilespmem:s28+$0x110]  }
0x277: {  	v0 =	vadd.f32 v2, v0  }
0x278: {  	v2 =	vld [tilespmem:s28+$0x190]  }
0x279: {  	v0 =	vadd.f32 v3, v0  }
0x27a: {  	v3 =	vld [tilespmem:s28+$0x210]  }
0x27b: {  	v0 =	vadd.f32 v1, v0;
	_ =	sdelay $0x1  }
0x27c: {  	v0 =	vadd.f32 v2, v0;
	_ =	sdelay $0x1  }
0x27d: {  	v0 =	vadd.f32 v3, v0;
	_ =	sdelay $0x1  }
0x27e: {  	[tilespmem:s29+$0x1A150] =	vst v0  }
0x27f: {  	v0 =	vld [tilespmem:$0x1B160]  }
0x280: {  	v1 =	vld [tilespmem:s28+$0xFFFFFE20];
	_ =	sdelay $0x1  }
0x281: {  	v2 =	vld [tilespmem:s28+$0xFFFFFEA0];
	_ =	sdelay $0x1  }
0x282: {  	v3 =	vld [tilespmem:s28+$0xFFFFFF20]  }
0x283: {  	v0 =	vadd.f32 v1, v0  }
0x284: {  	v1 =	vld [tilespmem:s28+$0xFFFFFFA0]  }
0x285: {  	v0 =	vadd.f32 v2, v0  }
0x286: {  	v2 =	vld [tilespmem:s28+$0x20]  }
0x287: {  	v0 =	vadd.f32 v3, v0  }
0x288: {  	v3 =	vld [tilespmem:s28+$0xA0]  }
0x289: {  	v0 =	vadd.f32 v1, v0  }
0x28a: {  	v1 =	vld [tilespmem:s28+$0x120]  }
0x28b: {  	v0 =	vadd.f32 v2, v0  }
0x28c: {  	v2 =	vld [tilespmem:s28+$0x1A0]  }
0x28d: {  	v0 =	vadd.f32 v3, v0  }
0x28e: {  	v3 =	vld [tilespmem:s28+$0x220]  }
0x28f: {  	v0 =	vadd.f32 v1, v0;
	_ =	sdelay $0x1  }
0x290: {  	v0 =	vadd.f32 v2, v0;
	_ =	sdelay $0x1  }
0x291: {  	v0 =	vadd.f32 v3, v0;
	_ =	sdelay $0x1  }
0x292: {  	[tilespmem:s29+$0x1A160] =	vst v0  }
0x293: {  	v0 =	vld [tilespmem:$0x1B170]  }
0x294: {  	v1 =	vld [tilespmem:s28+$0xFFFFFE30];
	_ =	sdelay $0x1  }
0x295: {  	v2 =	vld [tilespmem:s28+$0xFFFFFEB0];
	_ =	sdelay $0x1  }
0x296: {  	v3 =	vld [tilespmem:s28+$0xFFFFFF30]  }
0x297: {  	v0 =	vadd.f32 v1, v0  }
0x298: {  	v1 =	vld [tilespmem:s28+$0xFFFFFFB0]  }
0x299: {  	v0 =	vadd.f32 v2, v0  }
0x29a: {  	v4 =	vld [tilespmem:s28+$0x30]  }
0x29b: {  	v2 =	vadd.f32 v3, v0  }
0x29c: {  	v3 =	vld [tilespmem:s28+$0xB0]  }
0x29d: {  	v0 =	vld [tilespmem:s28+$0x130];
	v5 =	vadd.f32 v1, v2  }
0x29e: {  	v1 =	vld [tilespmem:s28+$0x1B0]  }
0x29f: {  	s30 =	simm.s32 $0x200;
	v2 =	vld [tilespmem:s28+$0x230];
	v4 =	vadd.f32 v4, v5  }
.LBB2_11:
0x2a0: {  	p0 =	sne.s32 s30, $0x3E00  }
0x2a1: {  	s28 =	sadd.s32 $0x480, s28;
	s0 =	smov.u32 s30;
	s30 =	sadd.s32 $0x200, s30;
	v3 =	vadd.f32 v3, v4  }
0x2a2: {  	_ = 	snop  }
0x2a3: {  	v0 =	vadd.f32 v0, v3;
	_ =	sdelay $0x1  }
0x2a4: {  	v0 =	vadd.f32 v1, v0;
	_ =	sdelay $0x1  }
0x2a5: {  	v0 =	vadd.f32 v2, v0;
	_ =	sdelay $0x1  }
0x2a6: {  	[tilespmem:s29+$0x1A170] =	vst v0  }
0x2a7: {  	v0 =	vld [tilespmem:s28+$0xFFFFFDC0]  }
0x2a8: {  	v1 =	vld [tilespmem:$0x1B100]  }
0x2a9: {  	v2 =	vld [tilespmem:s28+$0xFFFFFE40];
	_ =	sdelay $0x2  }
0x2aa: {  	v3 =	vld [tilespmem:s28+$0xFFFFFEC0]  }
0x2ab: {  	v0 =	vadd.f32 v0, v1  }
0x2ac: {  	v1 =	vld [tilespmem:s28+$0xFFFFFF40]  }
0x2ad: {  	v0 =	vadd.f32 v2, v0  }
0x2ae: {  	v2 =	vld [tilespmem:s28+$0xFFFFFFC0]  }
0x2af: {  	v0 =	vadd.f32 v3, v0  }
0x2b0: {  	v3 =	vld [tilespmem:s28+$0x40]  }
0x2b1: {  	v0 =	vadd.f32 v1, v0  }
0x2b2: {  	v1 =	vld [tilespmem:s28+$0xC0]  }
0x2b3: {  	v0 =	vadd.f32 v2, v0  }
0x2b4: {  	v2 =	vld [tilespmem:s28+$0x140]  }
0x2b5: {  	v0 =	vadd.f32 v3, v0  }
0x2b6: {  	v3 =	vld [tilespmem:s28+$0x1C0]  }
0x2b7: {  	v0 =	vadd.f32 v1, v0;
	_ =	sdelay $0x1  }
0x2b8: {  	v0 =	vadd.f32 v2, v0;
	_ =	sdelay $0x1  }
0x2b9: {  	v0 =	vadd.f32 v3, v0  }
0x2ba: {  	s29 =	sshra.s32 s0, $0x2  }
0x2bb: {  	[tilespmem:s29+$0x1A100] =	vst v0  }
0x2bc: {  	v0 =	vld [tilespmem:$0x1B110]  }
0x2bd: {  	v1 =	vld [tilespmem:s28+$0xFFFFFDD0];
	_ =	sdelay $0x1  }
0x2be: {  	v2 =	vld [tilespmem:s28+$0xFFFFFE50];
	_ =	sdelay $0x1  }
0x2bf: {  	v3 =	vld [tilespmem:s28+$0xFFFFFED0]  }
0x2c0: {  	v0 =	vadd.f32 v1, v0  }
0x2c1: {  	v1 =	vld [tilespmem:s28+$0xFFFFFF50]  }
0x2c2: {  	v0 =	vadd.f32 v2, v0  }
0x2c3: {  	v2 =	vld [tilespmem:s28+$0xFFFFFFD0]  }
0x2c4: {  	v0 =	vadd.f32 v3, v0  }
0x2c5: {  	v3 =	vld [tilespmem:s28+$0x50]  }
0x2c6: {  	v0 =	vadd.f32 v1, v0  }
0x2c7: {  	v1 =	vld [tilespmem:s28+$0xD0]  }
0x2c8: {  	v0 =	vadd.f32 v2, v0  }
0x2c9: {  	v2 =	vld [tilespmem:s28+$0x150]  }
0x2ca: {  	v0 =	vadd.f32 v3, v0  }
0x2cb: {  	v3 =	vld [tilespmem:s28+$0x1D0]  }
0x2cc: {  	v0 =	vadd.f32 v1, v0;
	_ =	sdelay $0x1  }
0x2cd: {  	v0 =	vadd.f32 v2, v0;
	_ =	sdelay $0x1  }
0x2ce: {  	v0 =	vadd.f32 v3, v0;
	_ =	sdelay $0x1  }
0x2cf: {  	[tilespmem:s29+$0x1A110] =	vst v0  }
0x2d0: {  	v0 =	vld [tilespmem:$0x1B120]  }
0x2d1: {  	v1 =	vld [tilespmem:s28+$0xFFFFFDE0];
	_ =	sdelay $0x1  }
0x2d2: {  	v2 =	vld [tilespmem:s28+$0xFFFFFE60];
	_ =	sdelay $0x1  }
0x2d3: {  	v3 =	vld [tilespmem:s28+$0xFFFFFEE0]  }
0x2d4: {  	v0 =	vadd.f32 v1, v0  }
0x2d5: {  	v1 =	vld [tilespmem:s28+$0xFFFFFF60]  }
0x2d6: {  	v0 =	vadd.f32 v2, v0  }
0x2d7: {  	v2 =	vld [tilespmem:s28+$0xFFFFFFE0]  }
0x2d8: {  	v0 =	vadd.f32 v3, v0  }
0x2d9: {  	v3 =	vld [tilespmem:s28+$0x60]  }
0x2da: {  	v0 =	vadd.f32 v1, v0  }
0x2db: {  	v1 =	vld [tilespmem:s28+$0xE0]  }
0x2dc: {  	v0 =	vadd.f32 v2, v0  }
0x2dd: {  	v2 =	vld [tilespmem:s28+$0x160]  }
0x2de: {  	v0 =	vadd.f32 v3, v0  }
0x2df: {  	v3 =	vld [tilespmem:s28+$0x1E0]  }
0x2e0: {  	v0 =	vadd.f32 v1, v0;
	_ =	sdelay $0x1  }
0x2e1: {  	v0 =	vadd.f32 v2, v0;
	_ =	sdelay $0x1  }
0x2e2: {  	v0 =	vadd.f32 v3, v0;
	_ =	sdelay $0x1  }
0x2e3: {  	[tilespmem:s29+$0x1A120] =	vst v0  }
0x2e4: {  	v0 =	vld [tilespmem:$0x1B130]  }
0x2e5: {  	v1 =	vld [tilespmem:s28+$0xFFFFFDF0];
	_ =	sdelay $0x1  }
0x2e6: {  	v2 =	vld [tilespmem:s28+$0xFFFFFE70];
	_ =	sdelay $0x1  }
0x2e7: {  	v3 =	vld [tilespmem:s28+$0xFFFFFEF0]  }
0x2e8: {  	v0 =	vadd.f32 v1, v0  }
0x2e9: {  	v1 =	vld [tilespmem:s28+$0xFFFFFF70]  }
0x2ea: {  	v0 =	vadd.f32 v2, v0  }
0x2eb: {  	v2 =	vld [tilespmem:s28+$0xFFFFFFF0]  }
0x2ec: {  	v0 =	vadd.f32 v3, v0  }
0x2ed: {  	v3 =	vld [tilespmem:s28+$0x70]  }
0x2ee: {  	v0 =	vadd.f32 v1, v0  }
0x2ef: {  	v1 =	vld [tilespmem:s28+$0xF0]  }
0x2f0: {  	v0 =	vadd.f32 v2, v0  }
0x2f1: {  	v2 =	vld [tilespmem:s28+$0x170]  }
0x2f2: {  	v0 =	vadd.f32 v3, v0  }
0x2f3: {  	v3 =	vld [tilespmem:s28+$0x1F0]  }
0x2f4: {  	v0 =	vadd.f32 v1, v0;
	_ =	sdelay $0x1  }
0x2f5: {  	v0 =	vadd.f32 v2, v0;
	_ =	sdelay $0x1  }
0x2f6: {  	v0 =	vadd.f32 v3, v0;
	_ =	sdelay $0x1  }
0x2f7: {  	[tilespmem:s29+$0x1A130] =	vst v0  }
0x2f8: {  	v0 =	vld [tilespmem:$0x1B140]  }
0x2f9: {  	v1 =	vld [tilespmem:s28+$0xFFFFFE00];
	_ =	sdelay $0x1  }
0x2fa: {  	v2 =	vld [tilespmem:s28+$0xFFFFFE80];
	_ =	sdelay $0x1  }
0x2fb: {  	v3 =	vld [tilespmem:s28+$0xFFFFFF00]  }
0x2fc: {  	v0 =	vadd.f32 v1, v0  }
0x2fd: {  	v1 =	vld [tilespmem:s28+$0xFFFFFF80]  }
0x2fe: {  	v0 =	vadd.f32 v2, v0  }
0x2ff: {  	v2 =	vld [tilespmem:s28+$0x0]  }
0x300: {  	v0 =	vadd.f32 v3, v0  }
0x301: {  	v3 =	vld [tilespmem:s28+$0x80]  }
0x302: {  	v0 =	vadd.f32 v1, v0  }
0x303: {  	v1 =	vld [tilespmem:s28+$0x100]  }
0x304: {  	v0 =	vadd.f32 v2, v0  }
0x305: {  	v2 =	vld [tilespmem:s28+$0x180]  }
0x306: {  	v0 =	vadd.f32 v3, v0  }
0x307: {  	v3 =	vld [tilespmem:s28+$0x200]  }
0x308: {  	v0 =	vadd.f32 v1, v0;
	_ =	sdelay $0x1  }
0x309: {  	v0 =	vadd.f32 v2, v0;
	_ =	sdelay $0x1  }
0x30a: {  	v0 =	vadd.f32 v3, v0;
	_ =	sdelay $0x1  }
0x30b: {  	[tilespmem:s29+$0x1A140] =	vst v0  }
0x30c: {  	v0 =	vld [tilespmem:$0x1B150]  }
0x30d: {  	v1 =	vld [tilespmem:s28+$0xFFFFFE10]  }
0x30e: {  	v2 =	vld [tilespmem:s28+$0xFFFFFE90]  }
0x30f: {  	v3 =	vld [tilespmem:s28+$0xFFFFFF10]  }
0x310: {  	v4 =	vld [tilespmem:s28+$0xFFFFFF90]  }
0x311: {  	v5 =	vld [tilespmem:s28+$0x10]  }
0x312: {  	v0 =	vadd.f32 v1, v0;
	v1 =	vld [tilespmem:s28+$0x90]  }
0x313: {  	v6 =	vld [tilespmem:s28+$0x110]  }
0x314: {  	v0 =	vadd.f32 v2, v0;
	v2 =	vld [tilespmem:s28+$0x190]  }
0x315: {  	v7 =	vld [tilespmem:s28+$0x210]  }
0x316: {  	v0 =	vadd.f32 v3, v0;
	_ =	sdelay $0x1  }
0x317: {  	v0 =	vadd.f32 v4, v0;
	_ =	sdelay $0x1  }
0x318: {  	v0 =	vadd.f32 v5, v0;
	_ =	sdelay $0x1  }
0x319: {  	v0 =	vadd.f32 v1, v0;
	_ =	sdelay $0x1  }
0x31a: {  	v0 =	vadd.f32 v6, v0;
	_ =	sdelay $0x1  }
0x31b: {  	v0 =	vadd.f32 v2, v0;
	_ =	sdelay $0x1  }
0x31c: {  	v0 =	vadd.f32 v7, v0;
	_ =	sdelay $0x1  }
0x31d: {  	[tilespmem:s29+$0x1A150] =	vst v0  }
0x31e: {  	v0 =	vld [tilespmem:$0x1B160]  }
0x31f: {  	v1 =	vld [tilespmem:s28+$0xFFFFFE20]  }
0x320: {  	v2 =	vld [tilespmem:s28+$0xFFFFFEA0]  }
0x321: {  	v3 =	vld [tilespmem:s28+$0xFFFFFF20]  }
0x322: {  	v4 =	vld [tilespmem:s28+$0xFFFFFFA0]  }
0x323: {  	v5 =	vld [tilespmem:s28+$0x20]  }
0x324: {  	v0 =	vadd.f32 v1, v0;
	v1 =	vld [tilespmem:s28+$0xA0]  }
0x325: {  	v6 =	vld [tilespmem:s28+$0x120]  }
0x326: {  	v0 =	vadd.f32 v2, v0;
	v2 =	vld [tilespmem:s28+$0x1A0]  }
0x327: {  	v7 =	vld [tilespmem:s28+$0x220]  }
0x328: {  	v0 =	vadd.f32 v3, v0;
	_ =	sdelay $0x1  }
0x329: {  	v0 =	vadd.f32 v4, v0;
	_ =	sdelay $0x1  }
0x32a: {  	v0 =	vadd.f32 v5, v0;
	_ =	sdelay $0x1  }
0x32b: {  	v0 =	vadd.f32 v1, v0;
	_ =	sdelay $0x1  }
0x32c: {  	v0 =	vadd.f32 v6, v0;
	_ =	sdelay $0x1  }
0x32d: {  	v0 =	vadd.f32 v2, v0;
	_ =	sdelay $0x1  }
0x32e: {  	v0 =	vadd.f32 v7, v0;
	_ =	sdelay $0x1  }
0x32f: {  	[tilespmem:s29+$0x1A160] =	vst v0  }
0x330: {  	v0 =	vld [tilespmem:$0x1B170]  }
0x331: {  	v1 =	vld [tilespmem:s28+$0xFFFFFE30]  }
0x332: {  	v2 =	vld [tilespmem:s28+$0xFFFFFEB0]  }
0x333: {  	v4 =	vld [tilespmem:s28+$0xFFFFFF30]  }
0x334: {  	v5 =	vld [tilespmem:s28+$0xFFFFFFB0]  }
0x335: {  	v6 =	vld [tilespmem:s28+$0x30]  }
0x336: {  	v1 =	vadd.f32 v1, v0;
	v3 =	vld [tilespmem:s28+$0xB0]  }
0x337: {  	v0 =	vld [tilespmem:s28+$0x130]  }
0x338: {  	v7 =	vadd.f32 v2, v1;
	v1 =	vld [tilespmem:s28+$0x1B0]  }
0x339: {  	v2 =	vld [tilespmem:s28+$0x230]  }
.Ltmp7:
0x33a: {  	v4 =	vadd.f32 v4, v7;
	(pc) =	sbr.rel @p0 .LBB2_11-.Ltmp7, $3  }
0x33b: {  	_ = 	snop  }
0x33c: {  	v4 =	vadd.f32 v5, v4;
	_ =	sdelay $0x1  }
0x33d: {  	v4 =	vadd.f32 v6, v4  }
0x33e: {  	_ = 	snop  }
0x33f: {  	v3 =	vadd.f32 v3, v4;
	_ =	sdelay $0x1  }
0x340: {  	v0 =	vadd.f32 v0, v3;
	_ =	sdelay $0x1  }
0x341: {  	p0 =	seq.s32 s26, $0x18;
	v0 =	vadd.f32 v1, v0  }
.Ltmp8:
0x342: {  	_ = 	snop;
	(pc) =	sbr.rel @p0 .LBB2_14-.Ltmp8, $4  }
0x343: {  	v0 =	vadd.f32 v2, v0  }
0x344: {  	s0 =	sshll.u32 s26, $0xA  }
0x345: {  	s0 =	sadd.s32 s10, s0;
	[tilespmem:s29+$0x1A170] =	vst v0  }
0x346: {  	[hbm4b:s0+s3] =	stream.linear.scatter [tilespmem:s23], [sflag:$0x4], $0x1000, $0x38;
	[tilespmem:$0x1B280] =	vst v63  }
0x347: {  	s0 =	smul.u32 $0x900, s26  }
.Ltmp9:
0x348: {  	_ = 	snop;
	(pc) =	sbr.rel .LBB2_4-.Ltmp9, $4  }
0x349: {  	_ = 	snop  }
0x34a: {  	s0 =	sshra.s32 s0, $0x2  }
0x34b: {  	s26 =	sadd.s32 $0x1, s26;
	s0 =	sadd.s32 $0x3BE0, s0  }
0x34c: {  	[tilespmem:s18], [sflag:$0x2] =	stream.indirect.gather [hbm4b:s5+s14], $0x80, s0, s14, $0xb8;
	[tilespmem:$0x1B280] =	vst v63  }
.LBB2_15:
0x34d: {  	_ =	sfence.sel $0x180000  }
0x34e: {  	[bflag:$0x0] =	sbarrier.arrive $0xFFFF  }
0x34f: {  	_ =	strace $0x90000047  }
0x350: {  	[bflag:$0x2] =	sbarrier.arrive $0xFFFF  }
0x351: {  	p0 =	sne.s32 s1, $0x0;
	s0 =	rddreg [dreg:$0x3]  }
0x352: {  	s0 =	sadd.s32 @!p0 $0x100000, s0  }
0x353: {  	[sflag:s0] =	ssyncadd.tile.s32 @!p0 $0x1;
	_ =	shalt  }
.Lfunc_end2:
_tile_overlayer_lowered:
.L_overlay_start_2:
0x354: {  	(tag) =	ssettag $0x2  }
0x355: {  	s0 =	rddreg [dreg:$0x0];
	s2 =	stileid.u32  }
0x356: {  	s1 =	rddreg [dreg:$0x1];
	p0 =	sne.s32 s2, $0x0  }
0x357: {  	s3 =	rddreg [dreg:$0x2];
	[bflag:$0x3] =	sbarrier.arrive $0xFFFF;
	s2 =	simm.s32 @!p0 $0x1C05  }
0x358: {  	[timem:s3], [sflag:s2] =	dma.local @!p0 [hbm:s0], s1  }
0x359: {  	s0 =	simm.s32 @!p0 $0x5  }
0x35a: {  	_ =	swait.ge @!p0 [sflag:s0], s1  }
0x35b: {  	s1 =	ssub.s32 @!p0 $0x0, s1;
	[sflag:s0] =	ssyncset.done @!p0 $0x0  }
0x35c: {  	[sflag:s0] =	ssyncadd.s32 @!p0 s1  }
0x35d: {  	[bflag:$0x3] =	sbarrier.arrive $0xFFFF  }
0x35e: {  	_ =	shalt  }

</sc_bundles>
